<compile_context>
chip_gen: v7x
topology: tpu7x:2x2x1
jax: 0.10.2.dev20260603
libtpu: 0.0.44.dev20260713+nightly
codegen_flags: <defaults>
</compile_context>

<pallas_src>
import jax
import jax.numpy as jnp
from jax import lax
from jax.experimental import pallas as pl
from jax.experimental.pallas import tpu as pltpu
from jax.experimental.pallas import tpu_sc as plsc

BATCH = 16384
FACTORS = 64

_info = plsc.get_sparse_core_info()
_NC, _NS, _L = _info.num_cores, _info.num_subcores, _info.num_lanes
_NW = _NC * _NS
_BPW = BATCH // _NW
_GROUPS = _BPW // _L


def _fm_body(user_hbm, item_hbm, eu_hbm, ei_hbm, ub_hbm, ib_hbm, b_hbm,
             out_hbm, uidx_v, iidx_v, urows_v, irows_v, ub_v, ib_v,
             bias_v, out_v, sem):
    wid = lax.axis_index("s") * _NC + lax.axis_index("c")
    base = wid * _BPW

    pltpu.sync_copy(user_hbm.at[pl.ds(base, _BPW)], uidx_v)
    pltpu.sync_copy(item_hbm.at[pl.ds(base, _BPW)], iidx_v)
    pltpu.sync_copy(b_hbm, bias_v)

    cp_u = pltpu.async_copy(eu_hbm.at[uidx_v], urows_v, sem)
    cp_i = pltpu.async_copy(ei_hbm.at[iidx_v], irows_v, sem)
    cp_ub = pltpu.async_copy(ub_hbm.at[uidx_v], ub_v, sem)
    cp_ib = pltpu.async_copy(ib_hbm.at[iidx_v], ib_v, sem)
    cp_u.wait()
    cp_i.wait()
    cp_ub.wait()
    cp_ib.wait()

    bias = bias_v[...]
    lanes = lax.iota(jnp.int32, _L)

    def group(g, carry):
        sl = pl.ds(g * _L, _L)
        row = g * _L + lanes
        acc = bias + ub_v[sl] + ib_v[sl]
        for f in range(FACTORS):
            col = jnp.full((_L,), f, jnp.int32)
            u = plsc.load_gather(urows_v, [row, col])
            v = plsc.load_gather(irows_v, [row, col])
            acc = acc + u * v
        out_v[sl] = acc
        return carry

    lax.fori_loop(0, _GROUPS, group, 0)
    pltpu.sync_copy(out_v, out_hbm.at[pl.ds(base, _BPW)])


def kernel(user, item, embed_user, embed_item, u_bias, i_bias, bias_):
    mesh = plsc.VectorSubcoreMesh(core_axis_name="c", subcore_axis_name="s")
    fm = pl.kernel(
        _fm_body,
        out_type=jax.ShapeDtypeStruct((BATCH,), jnp.float32),
        mesh=mesh,
        compiler_params=pltpu.CompilerParams(
            needs_layout_passes=False, use_tc_tiling_on_sc=False),
        scratch_types=[
            pltpu.VMEM((_BPW,), jnp.int32),
            pltpu.VMEM((_BPW,), jnp.int32),
            pltpu.VMEM((_BPW, FACTORS), jnp.float32),
            pltpu.VMEM((_BPW, FACTORS), jnp.float32),
            pltpu.VMEM((_BPW,), jnp.float32),
            pltpu.VMEM((_BPW,), jnp.float32),
            pltpu.VMEM((_L,), jnp.float32),
            pltpu.VMEM((_BPW,), jnp.float32),
            pltpu.SemaphoreType.DMA,
        ],
    )
    return fm(user.astype(jnp.int32), item.astype(jnp.int32),
              embed_user, embed_item,
              u_bias.reshape(-1), i_bias.reshape(-1),
              jnp.broadcast_to(bias_, (_L,)))

# --- scband reference (transcript-rebuilt; emitter-appended) ---
"""Pipeline reference for scband-point-fm-25074019074049 (READ-ONLY COPY).

The authoritative reference and input builder live on the scoring server;
editing this copy changes nothing except your own understanding.
"""

import jax, jax.numpy as jnp
import numpy as np

USER_NUM = 1000000
ITEM_NUM = 1000000
FACTORS = 64
BATCH = 16384

def setup_inputs(seed: int = 0) -> dict:
    key = jax.random.key(seed)
    k_user, k_item, k_eu, k_ei = jax.random.split(key, 4)
    user = jax.random.randint(k_user, (BATCH,), 0, USER_NUM, dtype=jnp.int64 if jax.config.jax_enable_x64 else jnp.int32)
    item = jax.random.randint(k_item, (BATCH,), 0, ITEM_NUM, dtype=jnp.int64 if jax.config.jax_enable_x64 else jnp.int32)
    # learned parameters sized per init_kwargs
    embed_user = jax.random.normal(k_eu, (USER_NUM, FACTORS), dtype=jnp.float32) * 0.01
    embed_item = jax.random.normal(k_ei, (ITEM_NUM, FACTORS), dtype=jnp.float32) * 0.01
    u_bias = jnp.zeros((USER_NUM, 1), dtype=jnp.float32)
    i_bias = jnp.zeros((ITEM_NUM, 1), dtype=jnp.float32)
    bias_ = jnp.zeros((1,), dtype=jnp.float32)
    return {"user": user, "item": item, "embed_user": embed_user, "embed_item": embed_item, "u_bias": u_bias, "i_bias": i_bias, "bias_": bias_}

def reference(user, item, embed_user, embed_item, u_bias, i_bias, bias_):
    eu = jnp.take(embed_user, user, axis=0)          # [B, F] gather
    ei = jnp.take(embed_item, item, axis=0)          # [B, F] gather
    pred = jnp.sum(eu * ei, axis=-1, keepdims=True)  # [B, 1]
    pred = pred + jnp.take(u_bias, user, axis=0) + jnp.take(i_bias, item, axis=0) + bias_
    return pred.reshape(-1)

if __name__ == "__main__":
    import jax
    _d = setup_inputs()
    print(jax.jit(kernel)(*tuple(_d.values())))

</pallas_src>

<mosaic_0001>
#map = affine_map<(d0, d1) -> (0)>
#map1 = affine_map<(d0, d1) -> (0, 0)>
module attributes {stable_mosaic.version = 14 : i64} {
  func.func @_fm_body(%arg0: i32, %arg1: i32, %arg2: memref<16384xi32, #tpu.memory_space<hbm>>, %arg3: memref<16384xi32, #tpu.memory_space<hbm>>, %arg4: memref<1000000x64xf32, #tpu.memory_space<hbm>>, %arg5: memref<1000000x64xf32, #tpu.memory_space<hbm>>, %arg6: memref<1000000xf32, #tpu.memory_space<hbm>>, %arg7: memref<1000000xf32, #tpu.memory_space<hbm>>, %arg8: memref<16xf32, #tpu.memory_space<hbm>>, %arg9: memref<16384xf32, #tpu.memory_space<hbm>>, %arg10: memref<512xi32, #tpu.memory_space<vmem>>, %arg11: memref<512xi32, #tpu.memory_space<vmem>>, %arg12: memref<512x64xf32, #tpu.memory_space<vmem>>, %arg13: memref<512x64xf32, #tpu.memory_space<vmem>>, %arg14: memref<512xf32, #tpu.memory_space<vmem>>, %arg15: memref<512xf32, #tpu.memory_space<vmem>>, %arg16: memref<16xf32, #tpu.memory_space<vmem>>, %arg17: memref<512xf32, #tpu.memory_space<vmem>>, %arg18: memref<!tpu.dma_semaphore, #tpu.memory_space<semaphore_mem>>) attributes {dimension_semantics = [#tpu.dimension_semantics<core_parallel>, #tpu.dimension_semantics<subcore_parallel>], iteration_bounds = array<i64: 2, 16>, scalar_prefetch = 0 : i64, scratch_operands = 9 : i64, tpu.core_type = #tpu.core_type<sc_vector_subcore>, window_params = [{transform_indices = #map}, {transform_indices = #map}, {transform_indices = #map1}, {transform_indices = #map1}, {transform_indices = #map}, {transform_indices = #map}, {transform_indices = #map}, {transform_indices = #map}]} {
    %mul3A = arith.constant 2 : i32
    %mul3A_0 = arith.muli %arg1, %mul3A : i32
    %add3A = arith.addi %mul3A_0, %arg0 : i32
    %mul3A_1 = arith.constant 512 : i32
    %mul3A_2 = arith.muli %add3A, %mul3A_1 : i32
    "tpu.region"() ({
      %run_scoped3A = tpu.sem_alloc : memref<!tpu.dma_semaphore, #tpu.memory_space<semaphore_mem>>
      %dma_start3A_27 = tpu.memref_slice %arg2[%mul3A_2] : memref<16384xi32, #tpu.memory_space<hbm>> -> memref<512xi32, #tpu.memory_space<hbm>>
      %dma_start3A_28 = tpu.memref_slice %arg2[%mul3A_2] : memref<16384xi32, #tpu.memory_space<hbm>> -> memref<512xi32, #tpu.memory_space<hbm>>
      tpu.enqueue_dma source(%dma_start3A_28 : memref<512xi32, #tpu.memory_space<hbm>>) target(%arg10 : memref<512xi32, #tpu.memory_space<vmem>>) target_semaphore(%run_scoped3A : memref<!tpu.dma_semaphore, #tpu.memory_space<semaphore_mem>>)
      %dma_wait3A_29 = tpu.memref_slice %arg2[%mul3A_2] : memref<16384xi32, #tpu.memory_space<hbm>> -> memref<512xi32, #tpu.memory_space<hbm>>
      %dma_wait3A_30 = tpu.memref_slice %arg2[%mul3A_2] : memref<16384xi32, #tpu.memory_space<hbm>> -> memref<512xi32, #tpu.memory_space<hbm>>
      tpu.wait_dma2 semaphore(%run_scoped3A : memref<!tpu.dma_semaphore, #tpu.memory_space<semaphore_mem>>) src(%dma_wait3A_30 : memref<512xi32, #tpu.memory_space<hbm>>) dst(%arg10 : memref<512xi32, #tpu.memory_space<vmem>>)
      tpu.yield
    }) : () -> ()
    "tpu.region"() ({
      %run_scoped3A = tpu.sem_alloc : memref<!tpu.dma_semaphore, #tpu.memory_space<semaphore_mem>>
      %dma_start3A_27 = tpu.memref_slice %arg3[%mul3A_2] : memref<16384xi32, #tpu.memory_space<hbm>> -> memref<512xi32, #tpu.memory_space<hbm>>
      %dma_start3A_28 = tpu.memref_slice %arg3[%mul3A_2] : memref<16384xi32, #tpu.memory_space<hbm>> -> memref<512xi32, #tpu.memory_space<hbm>>
      tpu.enqueue_dma source(%dma_start3A_28 : memref<512xi32, #tpu.memory_space<hbm>>) target(%arg11 : memref<512xi32, #tpu.memory_space<vmem>>) target_semaphore(%run_scoped3A : memref<!tpu.dma_semaphore, #tpu.memory_space<semaphore_mem>>)
      %dma_wait3A_29 = tpu.memref_slice %arg3[%mul3A_2] : memref<16384xi32, #tpu.memory_space<hbm>> -> memref<512xi32, #tpu.memory_space<hbm>>
      %dma_wait3A_30 = tpu.memref_slice %arg3[%mul3A_2] : memref<16384xi32, #tpu.memory_space<hbm>> -> memref<512xi32, #tpu.memory_space<hbm>>
      tpu.wait_dma2 semaphore(%run_scoped3A : memref<!tpu.dma_semaphore, #tpu.memory_space<semaphore_mem>>) src(%dma_wait3A_30 : memref<512xi32, #tpu.memory_space<hbm>>) dst(%arg11 : memref<512xi32, #tpu.memory_space<vmem>>)
      tpu.yield
    }) : () -> ()
    "tpu.region"() ({
      %run_scoped3A = tpu.sem_alloc : memref<!tpu.dma_semaphore, #tpu.memory_space<semaphore_mem>>
      tpu.enqueue_dma source(%arg8 : memref<16xf32, #tpu.memory_space<hbm>>) target(%arg16 : memref<16xf32, #tpu.memory_space<vmem>>) target_semaphore(%run_scoped3A : memref<!tpu.dma_semaphore, #tpu.memory_space<semaphore_mem>>)
      tpu.wait_dma2 semaphore(%run_scoped3A : memref<!tpu.dma_semaphore, #tpu.memory_space<semaphore_mem>>) src(%arg8 : memref<16xf32, #tpu.memory_space<hbm>>) dst(%arg16 : memref<16xf32, #tpu.memory_space<vmem>>)
      tpu.yield
    }) : () -> ()
    %dma_start3A = arith.constant 0 : i32
    %dma_start3A_3 = arith.constant 0 : i32
    %dma_start3A_4 = tpu.memref_slice %arg4[%dma_start3A, %dma_start3A_3] : memref<1000000x64xf32, #tpu.memory_space<hbm>> -> memref<1000000x64xf32, #tpu.memory_space<hbm>>
    tpu.enqueue_indirect_dma source(%dma_start3A_4 : memref<1000000x64xf32, #tpu.memory_space<hbm>>) target(%arg12 : memref<512x64xf32, #tpu.memory_space<vmem>>) offsets(%arg10 : memref<512xi32, #tpu.memory_space<vmem>>) semaphore(%arg18 : memref<!tpu.dma_semaphore, #tpu.memory_space<semaphore_mem>>)
    %dma_start3A_5 = arith.constant 0 : i32
    %dma_start3A_6 = arith.constant 0 : i32
    %dma_start3A_7 = tpu.memref_slice %arg5[%dma_start3A_5, %dma_start3A_6] : memref<1000000x64xf32, #tpu.memory_space<hbm>> -> memref<1000000x64xf32, #tpu.memory_space<hbm>>
    tpu.enqueue_indirect_dma source(%dma_start3A_7 : memref<1000000x64xf32, #tpu.memory_space<hbm>>) target(%arg13 : memref<512x64xf32, #tpu.memory_space<vmem>>) offsets(%arg11 : memref<512xi32, #tpu.memory_space<vmem>>) semaphore(%arg18 : memref<!tpu.dma_semaphore, #tpu.memory_space<semaphore_mem>>)
    %dma_start3A_8 = arith.constant 0 : i32
    %dma_start3A_9 = tpu.memref_slice %arg6[%dma_start3A_8] : memref<1000000xf32, #tpu.memory_space<hbm>> -> memref<1000000xf32, #tpu.memory_space<hbm>>
    tpu.enqueue_indirect_dma source(%dma_start3A_9 : memref<1000000xf32, #tpu.memory_space<hbm>>) target(%arg14 : memref<512xf32, #tpu.memory_space<vmem>>) offsets(%arg10 : memref<512xi32, #tpu.memory_space<vmem>>) semaphore(%arg18 : memref<!tpu.dma_semaphore, #tpu.memory_space<semaphore_mem>>)
    %dma_start3A_10 = arith.constant 0 : i32
    %dma_start3A_11 = tpu.memref_slice %arg7[%dma_start3A_10] : memref<1000000xf32, #tpu.memory_space<hbm>> -> memref<1000000xf32, #tpu.memory_space<hbm>>
    tpu.enqueue_indirect_dma source(%dma_start3A_11 : memref<1000000xf32, #tpu.memory_space<hbm>>) target(%arg15 : memref<512xf32, #tpu.memory_space<vmem>>) offsets(%arg11 : memref<512xi32, #tpu.memory_space<vmem>>) semaphore(%arg18 : memref<!tpu.dma_semaphore, #tpu.memory_space<semaphore_mem>>)
    %dma_wait3A = arith.constant 0 : i32
    %dma_wait3A_12 = arith.constant 0 : i32
    %dma_wait3A_13 = tpu.memref_slice %arg4[%dma_wait3A, %dma_wait3A_12] : memref<1000000x64xf32, #tpu.memory_space<hbm>> -> memref<1000000x64xf32, #tpu.memory_space<hbm>>
    tpu.wait_indirect_dma semaphore(%arg18 : memref<!tpu.dma_semaphore, #tpu.memory_space<semaphore_mem>>) src(%dma_wait3A_13 : memref<1000000x64xf32, #tpu.memory_space<hbm>>) dst(%arg12 : memref<512x64xf32, #tpu.memory_space<vmem>>)
    %dma_wait3A_14 = arith.constant 0 : i32
    %dma_wait3A_15 = arith.constant 0 : i32
    %dma_wait3A_16 = tpu.memref_slice %arg5[%dma_wait3A_14, %dma_wait3A_15] : memref<1000000x64xf32, #tpu.memory_space<hbm>> -> memref<1000000x64xf32, #tpu.memory_space<hbm>>
    tpu.wait_indirect_dma semaphore(%arg18 : memref<!tpu.dma_semaphore, #tpu.memory_space<semaphore_mem>>) src(%dma_wait3A_16 : memref<1000000x64xf32, #tpu.memory_space<hbm>>) dst(%arg13 : memref<512x64xf32, #tpu.memory_space<vmem>>)
    %dma_wait3A_17 = arith.constant 0 : i32
    %dma_wait3A_18 = tpu.memref_slice %arg6[%dma_wait3A_17] : memref<1000000xf32, #tpu.memory_space<hbm>> -> memref<1000000xf32, #tpu.memory_space<hbm>>
    tpu.wait_indirect_dma semaphore(%arg18 : memref<!tpu.dma_semaphore, #tpu.memory_space<semaphore_mem>>) src(%dma_wait3A_18 : memref<1000000xf32, #tpu.memory_space<hbm>>) dst(%arg14 : memref<512xf32, #tpu.memory_space<vmem>>)
    %dma_wait3A_19 = arith.constant 0 : i32
    %dma_wait3A_20 = tpu.memref_slice %arg7[%dma_wait3A_19] : memref<1000000xf32, #tpu.memory_space<hbm>> -> memref<1000000xf32, #tpu.memory_space<hbm>>
    tpu.wait_indirect_dma semaphore(%arg18 : memref<!tpu.dma_semaphore, #tpu.memory_space<semaphore_mem>>) src(%dma_wait3A_20 : memref<1000000xf32, #tpu.memory_space<hbm>>) dst(%arg15 : memref<512xf32, #tpu.memory_space<vmem>>)
    %get3A = arith.constant 0 : index
    %get3A_21 = tpu.vector_load %arg16[%get3A] {strides = array<i32>} : memref<16xf32, #tpu.memory_space<vmem>>, vector<16xf32>,
    %iota3A = tpu.iota {dimensions = array<i32: 0>} : vector<16xi32>
    %scan3A = arith.constant 0 : i32
    %scan3A_22 = arith.constant 0 : i32
    %scan3A_23 = arith.constant 32 : i32
    %scan3A_24 = arith.addi %scan3A_22, %scan3A_23 : i32
    %scan3A_25 = arith.constant 1 : i32
    scf.for %scan3A_27 = %scan3A_22 to %scan3A_24 step %scan3A_25  : i32 {
      %mul3A_28 = arith.constant 16 : i32
      %mul3A_29 = arith.muli %scan3A_27, %mul3A_28 : i32
      %mul3A_30 = arith.constant 16 : i32
      %mul3A_31 = arith.muli %scan3A_27, %mul3A_30 : i32
      %add3A_32 = vector.broadcast %mul3A_31 : i32 to vector<16xi32>
      %add3A_33 = arith.addi %add3A_32, %iota3A : vector<16xi32>
      %get3A_34 = arith.index_cast %mul3A_29 : i32 to index
      %get3A_35 = tpu.vector_load %arg14[%get3A_34] {strides = array<i32>} : memref<512xf32, #tpu.memory_space<vmem>>, vector<16xf32>,
      %add3A_36 = arith.addf %get3A_21, %get3A_35 : vector<16xf32>
      %get3A_37 = arith.index_cast %mul3A_29 : i32 to index
      %get3A_38 = tpu.vector_load %arg15[%get3A_37] {strides = array<i32>} : memref<512xf32, #tpu.memory_space<vmem>>, vector<16xf32>,
      %add3A_39 = arith.addf %add3A_36, %get3A_38 : vector<16xf32>
      %broadcast_in_dim3A = arith.constant 0 : i32
      %broadcast_in_dim3A_40 = vector.broadcast %broadcast_in_dim3A : i32 to vector<16xi32>
      %gather3A = tpu.vector_load_idx %arg12[%add3A_33, %broadcast_in_dim3A_40] : memref<512x64xf32, #tpu.memory_space<vmem>>[vector<16xi32>, vector<16xi32>], vector<16xf32>,
      %gather3A_41 = tpu.vector_load_idx %arg13[%add3A_33, %broadcast_in_dim3A_40] : memref<512x64xf32, #tpu.memory_space<vmem>>[vector<16xi32>, vector<16xi32>], vector<16xf32>,
      %mul3A_42 = arith.mulf %gather3A, %gather3A_41 : vector<16xf32>
      %add3A_43 = arith.addf %add3A_39, %mul3A_42 : vector<16xf32>
      %broadcast_in_dim3A_44 = arith.constant 1 : i32
      %broadcast_in_dim3A_45 = vector.broadcast %broadcast_in_dim3A_44 : i32 to vector<16xi32>
      %gather3A_46 = tpu.vector_load_idx %arg12[%add3A_33, %broadcast_in_dim3A_45] : memref<512x64xf32, #tpu.memory_space<vmem>>[vector<16xi32>, vector<16xi32>], vector<16xf32>,
      %gather3A_47 = tpu.vector_load_idx %arg13[%add3A_33, %broadcast_in_dim3A_45] : memref<512x64xf32, #tpu.memory_space<vmem>>[vector<16xi32>, vector<16xi32>], vector<16xf32>,
      %mul3A_48 = arith.mulf %gather3A_46, %gather3A_47 : vector<16xf32>
      %add3A_49 = arith.addf %add3A_43, %mul3A_48 : vector<16xf32>
      %broadcast_in_dim3A_50 = arith.constant 2 : i32
      %broadcast_in_dim3A_51 = vector.broadcast %broadcast_in_dim3A_50 : i32 to vector<16xi32>
      %gather3A_52 = tpu.vector_load_idx %arg12[%add3A_33, %broadcast_in_dim3A_51] : memref<512x64xf32, #tpu.memory_space<vmem>>[vector<16xi32>, vector<16xi32>], vector<16xf32>,
      %gather3A_53 = tpu.vector_load_idx %arg13[%add3A_33, %broadcast_in_dim3A_51] : memref<512x64xf32, #tpu.memory_space<vmem>>[vector<16xi32>, vector<16xi32>], vector<16xf32>,
      %mul3A_54 = arith.mulf %gather3A_52, %gather3A_53 : vector<16xf32>
      %add3A_55 = arith.addf %add3A_49, %mul3A_54 : vector<16xf32>
      %broadcast_in_dim3A_56 = arith.constant 3 : i32
      %broadcast_in_dim3A_57 = vector.broadcast %broadcast_in_dim3A_56 : i32 to vector<16xi32>
      %gather3A_58 = tpu.vector_load_idx %arg12[%add3A_33, %broadcast_in_dim3A_57] : memref<512x64xf32, #tpu.memory_space<vmem>>[vector<16xi32>, vector<16xi32>], vector<16xf32>,
      %gather3A_59 = tpu.vector_load_idx %arg13[%add3A_33, %broadcast_in_dim3A_57] : memref<512x64xf32, #tpu.memory_space<vmem>>[vector<16xi32>, vector<16xi32>], vector<16xf32>,
      %mul3A_60 = arith.mulf %gather3A_58, %gather3A_59 : vector<16xf32>
      %add3A_61 = arith.addf %add3A_55, %mul3A_60 : vector<16xf32>
      %broadcast_in_dim3A_62 = arith.constant 4 : i32
      %broadcast_in_dim3A_63 = vector.broadcast %broadcast_in_dim3A_62 : i32 to vector<16xi32>
      %gather3A_64 = tpu.vector_load_idx %arg12[%add3A_33, %broadcast_in_dim3A_63] : memref<512x64xf32, #tpu.memory_space<vmem>>[vector<16xi32>, vector<16xi32>], vector<16xf32>,
      %gather3A_65 = tpu.vector_load_idx %arg13[%add3A_33, %broadcast_in_dim3A_63] : memref<512x64xf32, #tpu.memory_space<vmem>>[vector<16xi32>, vector<16xi32>], vector<16xf32>,
      %mul3A_66 = arith.mulf %gather3A_64, %gather3A_65 : vector<16xf32>
      %add3A_67 = arith.addf %add3A_61, %mul3A_66 : vector<16xf32>
      %broadcast_in_dim3A_68 = arith.constant 5 : i32
      %broadcast_in_dim3A_69 = vector.broadcast %broadcast_in_dim3A_68 : i32 to vector<16xi32>
      %gather3A_70 = tpu.vector_load_idx %arg12[%add3A_33, %broadcast_in_dim3A_69] : memref<512x64xf32, #tpu.memory_space<vmem>>[vector<16xi32>, vector<16xi32>], vector<16xf32>,
      %gather3A_71 = tpu.vector_load_idx %arg13[%add3A_33, %broadcast_in_dim3A_69] : memref<512x64xf32, #tpu.memory_space<vmem>>[vector<16xi32>, vector<16xi32>], vector<16xf32>,
      %mul3A_72 = arith.mulf %gather3A_70, %gather3A_71 : vector<16xf32>
      %add3A_73 = arith.addf %add3A_67, %mul3A_72 : vector<16xf32>
      %broadcast_in_dim3A_74 = arith.constant 6 : i32
      %broadcast_in_dim3A_75 = vector.broadcast %broadcast_in_dim3A_74 : i32 to vector<16xi32>
      %gather3A_76 = tpu.vector_load_idx %arg12[%add3A_33, %broadcast_in_dim3A_75] : memref<512x64xf32, #tpu.memory_space<vmem>>[vector<16xi32>, vector<16xi32>], vector<16xf32>,
      %gather3A_77 = tpu.vector_load_idx %arg13[%add3A_33, %broadcast_in_dim3A_75] : memref<512x64xf32, #tpu.memory_space<vmem>>[vector<16xi32>, vector<16xi32>], vector<16xf32>,
      %mul3A_78 = arith.mulf %gather3A_76, %gather3A_77 : vector<16xf32>
      %add3A_79 = arith.addf %add3A_73, %mul3A_78 : vector<16xf32>
      %broadcast_in_dim3A_80 = arith.constant 7 : i32
      %broadcast_in_dim3A_81 = vector.broadcast %broadcast_in_dim3A_80 : i32 to vector<16xi32>
      %gather3A_82 = tpu.vector_load_idx %arg12[%add3A_33, %broadcast_in_dim3A_81] : memref<512x64xf32, #tpu.memory_space<vmem>>[vector<16xi32>, vector<16xi32>], vector<16xf32>,
      %gather3A_83 = tpu.vector_load_idx %arg13[%add3A_33, %broadcast_in_dim3A_81] : memref<512x64xf32, #tpu.memory_space<vmem>>[vector<16xi32>, vector<16xi32>], vector<16xf32>,
      %mul3A_84 = arith.mulf %gather3A_82, %gather3A_83 : vector<16xf32>
      %add3A_85 = arith.addf %add3A_79, %mul3A_84 : vector<16xf32>
      %broadcast_in_dim3A_86 = arith.constant 8 : i32
      %broadcast_in_dim3A_87 = vector.broadcast %broadcast_in_dim3A_86 : i32 to vector<16xi32>
      %gather3A_88 = tpu.vector_load_idx %arg12[%add3A_33, %broadcast_in_dim3A_87] : memref<512x64xf32, #tpu.memory_space<vmem>>[vector<16xi32>, vector<16xi32>], vector<16xf32>,
      %gather3A_89 = tpu.vector_load_idx %arg13[%add3A_33, %broadcast_in_dim3A_87] : memref<512x64xf32, #tpu.memory_space<vmem>>[vector<16xi32>, vector<16xi32>], vector<16xf32>,
      %mul3A_90 = arith.mulf %gather3A_88, %gather3A_89 : vector<16xf32>
      %add3A_91 = arith.addf %add3A_85, %mul3A_90 : vector<16xf32>
      %broadcast_in_dim3A_92 = arith.constant 9 : i32
      %broadcast_in_dim3A_93 = vector.broadcast %broadcast_in_dim3A_92 : i32 to vector<16xi32>
      %gather3A_94 = tpu.vector_load_idx %arg12[%add3A_33, %broadcast_in_dim3A_93] : memref<512x64xf32, #tpu.memory_space<vmem>>[vector<16xi32>, vector<16xi32>], vector<16xf32>,
      %gather3A_95 = tpu.vector_load_idx %arg13[%add3A_33, %broadcast_in_dim3A_93] : memref<512x64xf32, #tpu.memory_space<vmem>>[vector<16xi32>, vector<16xi32>], vector<16xf32>,
      %mul3A_96 = arith.mulf %gather3A_94, %gather3A_95 : vector<16xf32>
      %add3A_97 = arith.addf %add3A_91, %mul3A_96 : vector<16xf32>
      %broadcast_in_dim3A_98 = arith.constant 10 : i32
      %broadcast_in_dim3A_99 = vector.broadcast %broadcast_in_dim3A_98 : i32 to vector<16xi32>
      %gather3A_100 = tpu.vector_load_idx %arg12[%add3A_33, %broadcast_in_dim3A_99] : memref<512x64xf32, #tpu.memory_space<vmem>>[vector<16xi32>, vector<16xi32>], vector<16xf32>,
      %gather3A_101 = tpu.vector_load_idx %arg13[%add3A_33, %broadcast_in_dim3A_99] : memref<512x64xf32, #tpu.memory_space<vmem>>[vector<16xi32>, vector<16xi32>], vector<16xf32>,
      %mul3A_102 = arith.mulf %gather3A_100, %gather3A_101 : vector<16xf32>
      %add3A_103 = arith.addf %add3A_97, %mul3A_102 : vector<16xf32>
      %broadcast_in_dim3A_104 = arith.constant 11 : i32
      %broadcast_in_dim3A_105 = vector.broadcast %broadcast_in_dim3A_104 : i32 to vector<16xi32>
      %gather3A_106 = tpu.vector_load_idx %arg12[%add3A_33, %broadcast_in_dim3A_105] : memref<512x64xf32, #tpu.memory_space<vmem>>[vector<16xi32>, vector<16xi32>], vector<16xf32>,
      %gather3A_107 = tpu.vector_load_idx %arg13[%add3A_33, %broadcast_in_dim3A_105] : memref<512x64xf32, #tpu.memory_space<vmem>>[vector<16xi32>, vector<16xi32>], vector<16xf32>,
      %mul3A_108 = arith.mulf %gather3A_106, %gather3A_107 : vector<16xf32>
      %add3A_109 = arith.addf %add3A_103, %mul3A_108 : vector<16xf32>
      %broadcast_in_dim3A_110 = arith.constant 12 : i32
      %broadcast_in_dim3A_111 = vector.broadcast %broadcast_in_dim3A_110 : i32 to vector<16xi32>
      %gather3A_112 = tpu.vector_load_idx %arg12[%add3A_33, %broadcast_in_dim3A_111] : memref<512x64xf32, #tpu.memory_space<vmem>>[vector<16xi32>, vector<16xi32>], vector<16xf32>,
      %gather3A_113 = tpu.vector_load_idx %arg13[%add3A_33, %broadcast_in_dim3A_111] : memref<512x64xf32, #tpu.memory_space<vmem>>[vector<16xi32>, vector<16xi32>], vector<16xf32>,
      %mul3A_114 = arith.mulf %gather3A_112, %gather3A_113 : vector<16xf32>
      %add3A_115 = arith.addf %add3A_109, %mul3A_114 : vector<16xf32>
      %broadcast_in_dim3A_116 = arith.constant 13 : i32
      %broadcast_in_dim3A_117 = vector.broadcast %broadcast_in_dim3A_116 : i32 to vector<16xi32>
      %gather3A_118 = tpu.vector_load_idx %arg12[%add3A_33, %broadcast_in_dim3A_117] : memref<512x64xf32, #tpu.memory_space<vmem>>[vector<16xi32>, vector<16xi32>], vector<16xf32>,
      %gather3A_119 = tpu.vector_load_idx %arg13[%add3A_33, %broadcast_in_dim3A_117] : memref<512x64xf32, #tpu.memory_space<vmem>>[vector<16xi32>, vector<16xi32>], vector<16xf32>,
      %mul3A_120 = arith.mulf %gather3A_118, %gather3A_119 : vector<16xf32>
      %add3A_121 = arith.addf %add3A_115, %mul3A_120 : vector<16xf32>
      %broadcast_in_dim3A_122 = arith.constant 14 : i32
      %broadcast_in_dim3A_123 = vector.broadcast %broadcast_in_dim3A_122 : i32 to vector<16xi32>
      %gather3A_124 = tpu.vector_load_idx %arg12[%add3A_33, %broadcast_in_dim3A_123] : memref<512x64xf32, #tpu.memory_space<vmem>>[vector<16xi32>, vector<16xi32>], vector<16xf32>,
      %gather3A_125 = tpu.vector_load_idx %arg13[%add3A_33, %broadcast_in_dim3A_123] : memref<512x64xf32, #tpu.memory_space<vmem>>[vector<16xi32>, vector<16xi32>], vector<16xf32>,
      %mul3A_126 = arith.mulf %gather3A_124, %gather3A_125 : vector<16xf32>
      %add3A_127 = arith.addf %add3A_121, %mul3A_126 : vector<16xf32>
      %broadcast_in_dim3A_128 = arith.constant 15 : i32
      %broadcast_in_dim3A_129 = vector.broadcast %broadcast_in_dim3A_128 : i32 to vector<16xi32>
      %gather3A_130 = tpu.vector_load_idx %arg12[%add3A_33, %broadcast_in_dim3A_129] : memref<512x64xf32, #tpu.memory_space<vmem>>[vector<16xi32>, vector<16xi32>], vector<16xf32>,
      %gather3A_131 = tpu.vector_load_idx %arg13[%add3A_33, %broadcast_in_dim3A_129] : memref<512x64xf32, #tpu.memory_space<vmem>>[vector<16xi32>, vector<16xi32>], vector<16xf32>,
      %mul3A_132 = arith.mulf %gather3A_130, %gather3A_131 : vector<16xf32>
      %add3A_133 = arith.addf %add3A_127, %mul3A_132 : vector<16xf32>
      %broadcast_in_dim3A_134 = arith.constant 16 : i32
      %broadcast_in_dim3A_135 = vector.broadcast %broadcast_in_dim3A_134 : i32 to vector<16xi32>
      %gather3A_136 = tpu.vector_load_idx %arg12[%add3A_33, %broadcast_in_dim3A_135] : memref<512x64xf32, #tpu.memory_space<vmem>>[vector<16xi32>, vector<16xi32>], vector<16xf32>,
      %gather3A_137 = tpu.vector_load_idx %arg13[%add3A_33, %broadcast_in_dim3A_135] : memref<512x64xf32, #tpu.memory_space<vmem>>[vector<16xi32>, vector<16xi32>], vector<16xf32>,
      %mul3A_138 = arith.mulf %gather3A_136, %gather3A_137 : vector<16xf32>
      %add3A_139 = arith.addf %add3A_133, %mul3A_138 : vector<16xf32>
      %broadcast_in_dim3A_140 = arith.constant 17 : i32
      %broadcast_in_dim3A_141 = vector.broadcast %broadcast_in_dim3A_140 : i32 to vector<16xi32>
      %gather3A_142 = tpu.vector_load_idx %arg12[%add3A_33, %broadcast_in_dim3A_141] : memref<512x64xf32, #tpu.memory_space<vmem>>[vector<16xi32>, vector<16xi32>], vector<16xf32>,
      %gather3A_143 = tpu.vector_load_idx %arg13[%add3A_33, %broadcast_in_dim3A_141] : memref<512x64xf32, #tpu.memory_space<vmem>>[vector<16xi32>, vector<16xi32>], vector<16xf32>,
      %mul3A_144 = arith.mulf %gather3A_142, %gather3A_143 : vector<16xf32>
      %add3A_145 = arith.addf %add3A_139, %mul3A_144 : vector<16xf32>
      %broadcast_in_dim3A_146 = arith.constant 18 : i32
      %broadcast_in_dim3A_147 = vector.broadcast %broadcast_in_dim3A_146 : i32 to vector<16xi32>
      %gather3A_148 = tpu.vector_load_idx %arg12[%add3A_33, %broadcast_in_dim3A_147] : memref<512x64xf32, #tpu.memory_space<vmem>>[vector<16xi32>, vector<16xi32>], vector<16xf32>,
      %gather3A_149 = tpu.vector_load_idx %arg13[%add3A_33, %broadcast_in_dim3A_147] : memref<512x64xf32, #tpu.memory_space<vmem>>[vector<16xi32>, vector<16xi32>], vector<16xf32>,
      %mul3A_150 = arith.mulf %gather3A_148, %gather3A_149 : vector<16xf32>
      %add3A_151 = arith.addf %add3A_145, %mul3A_150 : vector<16xf32>
      %broadcast_in_dim3A_152 = arith.constant 19 : i32
      %broadcast_in_dim3A_153 = vector.broadcast %broadcast_in_dim3A_152 : i32 to vector<16xi32>
      %gather3A_154 = tpu.vector_load_idx %arg12[%add3A_33, %broadcast_in_dim3A_153] : memref<512x64xf32, #tpu.memory_space<vmem>>[vector<16xi32>, vector<16xi32>], vector<16xf32>,
      %gather3A_155 = tpu.vector_load_idx %arg13[%add3A_33, %broadcast_in_dim3A_153] : memref<512x64xf32, #tpu.memory_space<vmem>>[vector<16xi32>, vector<16xi32>], vector<16xf32>,
      %mul3A_156 = arith.mulf %gather3A_154, %gather3A_155 : vector<16xf32>
      %add3A_157 = arith.addf %add3A_151, %mul3A_156 : vector<16xf32>
      %broadcast_in_dim3A_158 = arith.constant 20 : i32
      %broadcast_in_dim3A_159 = vector.broadcast %broadcast_in_dim3A_158 : i32 to vector<16xi32>
      %gather3A_160 = tpu.vector_load_idx %arg12[%add3A_33, %broadcast_in_dim3A_159] : memref<512x64xf32, #tpu.memory_space<vmem>>[vector<16xi32>, vector<16xi32>], vector<16xf32>,
      %gather3A_161 = tpu.vector_load_idx %arg13[%add3A_33, %broadcast_in_dim3A_159] : memref<512x64xf32, #tpu.memory_space<vmem>>[vector<16xi32>, vector<16xi32>], vector<16xf32>,
      %mul3A_162 = arith.mulf %gather3A_160, %gather3A_161 : vector<16xf32>
      %add3A_163 = arith.addf %add3A_157, %mul3A_162 : vector<16xf32>
      %broadcast_in_dim3A_164 = arith.constant 21 : i32
      %broadcast_in_dim3A_165 = vector.broadcast %broadcast_in_dim3A_164 : i32 to vector<16xi32>
      %gather3A_166 = tpu.vector_load_idx %arg12[%add3A_33, %broadcast_in_dim3A_165] : memref<512x64xf32, #tpu.memory_space<vmem>>[vector<16xi32>, vector<16xi32>], vector<16xf32>,
      %gather3A_167 = tpu.vector_load_idx %arg13[%add3A_33, %broadcast_in_dim3A_165] : memref<512x64xf32, #tpu.memory_space<vmem>>[vector<16xi32>, vector<16xi32>], vector<16xf32>,
      %mul3A_168 = arith.mulf %gather3A_166, %gather3A_167 : vector<16xf32>
      %add3A_169 = arith.addf %add3A_163, %mul3A_168 : vector<16xf32>
      %broadcast_in_dim3A_170 = arith.constant 22 : i32
      %broadcast_in_dim3A_171 = vector.broadcast %broadcast_in_dim3A_170 : i32 to vector<16xi32>
      %gather3A_172 = tpu.vector_load_idx %arg12[%add3A_33, %broadcast_in_dim3A_171] : memref<512x64xf32, #tpu.memory_space<vmem>>[vector<16xi32>, vector<16xi32>], vector<16xf32>,
      %gather3A_173 = tpu.vector_load_idx %arg13[%add3A_33, %broadcast_in_dim3A_171] : memref<512x64xf32, #tpu.memory_space<vmem>>[vector<16xi32>, vector<16xi32>], vector<16xf32>,
      %mul3A_174 = arith.mulf %gather3A_172, %gather3A_173 : vector<16xf32>
      %add3A_175 = arith.addf %add3A_169, %mul3A_174 : vector<16xf32>
      %broadcast_in_dim3A_176 = arith.constant 23 : i32
      %broadcast_in_dim3A_177 = vector.broadcast %broadcast_in_dim3A_176 : i32 to vector<16xi32>
      %gather3A_178 = tpu.vector_load_idx %arg12[%add3A_33, %broadcast_in_dim3A_177] : memref<512x64xf32, #tpu.memory_space<vmem>>[vector<16xi32>, vector<16xi32>], vector<16xf32>,
      %gather3A_179 = tpu.vector_load_idx %arg13[%add3A_33, %broadcast_in_dim3A_177] : memref<512x64xf32, #tpu.memory_space<vmem>>[vector<16xi32>, vector<16xi32>], vector<16xf32>,
      %mul3A_180 = arith.mulf %gather3A_178, %gather3A_179 : vector<16xf32>
      %add3A_181 = arith.addf %add3A_175, %mul3A_180 : vector<16xf32>
      %broadcast_in_dim3A_182 = arith.constant 24 : i32
      %broadcast_in_dim3A_183 = vector.broadcast %broadcast_in_dim3A_182 : i32 to vector<16xi32>
      %gather3A_184 = tpu.vector_load_idx %arg12[%add3A_33, %broadcast_in_dim3A_183] : memref<512x64xf32, #tpu.memory_space<vmem>>[vector<16xi32>, vector<16xi32>], vector<16xf32>,
      %gather3A_185 = tpu.vector_load_idx %arg13[%add3A_33, %broadcast_in_dim3A_183] : memref<512x64xf32, #tpu.memory_space<vmem>>[vector<16xi32>, vector<16xi32>], vector<16xf32>,
      %mul3A_186 = arith.mulf %gather3A_184, %gather3A_185 : vector<16xf32>
      %add3A_187 = arith.addf %add3A_181, %mul3A_186 : vector<16xf32>
      %broadcast_in_dim3A_188 = arith.constant 25 : i32
      %broadcast_in_dim3A_189 = vector.broadcast %broadcast_in_dim3A_188 : i32 to vector<16xi32>
      %gather3A_190 = tpu.vector_load_idx %arg12[%add3A_33, %broadcast_in_dim3A_189] : memref<512x64xf32, #tpu.memory_space<vmem>>[vector<16xi32>, vector<16xi32>], vector<16xf32>,
      %gather3A_191 = tpu.vector_load_idx %arg13[%add3A_33, %broadcast_in_dim3A_189] : memref<512x64xf32, #tpu.memory_space<vmem>>[vector<16xi32>, vector<16xi32>], vector<16xf32>,
      %mul3A_192 = arith.mulf %gather3A_190, %gather3A_191 : vector<16xf32>
      %add3A_193 = arith.addf %add3A_187, %mul3A_192 : vector<16xf32>
      %broadcast_in_dim3A_194 = arith.constant 26 : i32
      %broadcast_in_dim3A_195 = vector.broadcast %broadcast_in_dim3A_194 : i32 to vector<16xi32>
      %gather3A_196 = tpu.vector_load_idx %arg12[%add3A_33, %broadcast_in_dim3A_195] : memref<512x64xf32, #tpu.memory_space<vmem>>[vector<16xi32>, vector<16xi32>], vector<16xf32>,
      %gather3A_197 = tpu.vector_load_idx %arg13[%add3A_33, %broadcast_in_dim3A_195] : memref<512x64xf32, #tpu.memory_space<vmem>>[vector<16xi32>, vector<16xi32>], vector<16xf32>,
      %mul3A_198 = arith.mulf %gather3A_196, %gather3A_197 : vector<16xf32>
      %add3A_199 = arith.addf %add3A_193, %mul3A_198 : vector<16xf32>
      %broadcast_in_dim3A_200 = arith.constant 27 : i32
      %broadcast_in_dim3A_201 = vector.broadcast %broadcast_in_dim3A_200 : i32 to vector<16xi32>
      %gather3A_202 = tpu.vector_load_idx %arg12[%add3A_33, %broadcast_in_dim3A_201] : memref<512x64xf32, #tpu.memory_space<vmem>>[vector<16xi32>, vector<16xi32>], vector<16xf32>,
      %gather3A_203 = tpu.vector_load_idx %arg13[%add3A_33, %broadcast_in_dim3A_201] : memref<512x64xf32, #tpu.memory_space<vmem>>[vector<16xi32>, vector<16xi32>], vector<16xf32>,
      %mul3A_204 = arith.mulf %gather3A_202, %gather3A_203 : vector<16xf32>
      %add3A_205 = arith.addf %add3A_199, %mul3A_204 : vector<16xf32>
      %broadcast_in_dim3A_206 = arith.constant 28 : i32
      %broadcast_in_dim3A_207 = vector.broadcast %broadcast_in_dim3A_206 : i32 to vector<16xi32>
      %gather3A_208 = tpu.vector_load_idx %arg12[%add3A_33, %broadcast_in_dim3A_207] : memref<512x64xf32, #tpu.memory_space<vmem>>[vector<16xi32>, vector<16xi32>], vector<16xf32>,
      %gather3A_209 = tpu.vector_load_idx %arg13[%add3A_33, %broadcast_in_dim3A_207] : memref<512x64xf32, #tpu.memory_space<vmem>>[vector<16xi32>, vector<16xi32>], vector<16xf32>,
      %mul3A_210 = arith.mulf %gather3A_208, %gather3A_209 : vector<16xf32>
      %add3A_211 = arith.addf %add3A_205, %mul3A_210 : vector<16xf32>
      %broadcast_in_dim3A_212 = arith.constant 29 : i32
      %broadcast_in_dim3A_213 = vector.broadcast %broadcast_in_dim3A_212 : i32 to vector<16xi32>
      %gather3A_214 = tpu.vector_load_idx %arg12[%add3A_33, %broadcast_in_dim3A_213] : memref<512x64xf32, #tpu.memory_space<vmem>>[vector<16xi32>, vector<16xi32>], vector<16xf32>,
      %gather3A_215 = tpu.vector_load_idx %arg13[%add3A_33, %broadcast_in_dim3A_213] : memref<512x64xf32, #tpu.memory_space<vmem>>[vector<16xi32>, vector<16xi32>], vector<16xf32>,
      %mul3A_216 = arith.mulf %gather3A_214, %gather3A_215 : vector<16xf32>
      %add3A_217 = arith.addf %add3A_211, %mul3A_216 : vector<16xf32>
      %broadcast_in_dim3A_218 = arith.constant 30 : i32
      %broadcast_in_dim3A_219 = vector.broadcast %broadcast_in_dim3A_218 : i32 to vector<16xi32>
      %gather3A_220 = tpu.vector_load_idx %arg12[%add3A_33, %broadcast_in_dim3A_219] : memref<512x64xf32, #tpu.memory_space<vmem>>[vector<16xi32>, vector<16xi32>], vector<16xf32>,
      %gather3A_221 = tpu.vector_load_idx %arg13[%add3A_33, %broadcast_in_dim3A_219] : memref<512x64xf32, #tpu.memory_space<vmem>>[vector<16xi32>, vector<16xi32>], vector<16xf32>,
      %mul3A_222 = arith.mulf %gather3A_220, %gather3A_221 : vector<16xf32>
      %add3A_223 = arith.addf %add3A_217, %mul3A_222 : vector<16xf32>
      %broadcast_in_dim3A_224 = arith.constant 31 : i32
      %broadcast_in_dim3A_225 = vector.broadcast %broadcast_in_dim3A_224 : i32 to vector<16xi32>
      %gather3A_226 = tpu.vector_load_idx %arg12[%add3A_33, %broadcast_in_dim3A_225] : memref<512x64xf32, #tpu.memory_space<vmem>>[vector<16xi32>, vector<16xi32>], vector<16xf32>,
      %gather3A_227 = tpu.vector_load_idx %arg13[%add3A_33, %broadcast_in_dim3A_225] : memref<512x64xf32, #tpu.memory_space<vmem>>[vector<16xi32>, vector<16xi32>], vector<16xf32>,
      %mul3A_228 = arith.mulf %gather3A_226, %gather3A_227 : vector<16xf32>
      %add3A_229 = arith.addf %add3A_223, %mul3A_228 : vector<16xf32>
      %broadcast_in_dim3A_230 = arith.constant 32 : i32
      %broadcast_in_dim3A_231 = vector.broadcast %broadcast_in_dim3A_230 : i32 to vector<16xi32>
      %gather3A_232 = tpu.vector_load_idx %arg12[%add3A_33, %broadcast_in_dim3A_231] : memref<512x64xf32, #tpu.memory_space<vmem>>[vector<16xi32>, vector<16xi32>], vector<16xf32>,
      %gather3A_233 = tpu.vector_load_idx %arg13[%add3A_33, %broadcast_in_dim3A_231] : memref<512x64xf32, #tpu.memory_space<vmem>>[vector<16xi32>, vector<16xi32>], vector<16xf32>,
      %mul3A_234 = arith.mulf %gather3A_232, %gather3A_233 : vector<16xf32>
      %add3A_235 = arith.addf %add3A_229, %mul3A_234 : vector<16xf32>
      %broadcast_in_dim3A_236 = arith.constant 33 : i32
      %broadcast_in_dim3A_237 = vector.broadcast %broadcast_in_dim3A_236 : i32 to vector<16xi32>
      %gather3A_238 = tpu.vector_load_idx %arg12[%add3A_33, %broadcast_in_dim3A_237] : memref<512x64xf32, #tpu.memory_space<vmem>>[vector<16xi32>, vector<16xi32>], vector<16xf32>,
      %gather3A_239 = tpu.vector_load_idx %arg13[%add3A_33, %broadcast_in_dim3A_237] : memref<512x64xf32, #tpu.memory_space<vmem>>[vector<16xi32>, vector<16xi32>], vector<16xf32>,
      %mul3A_240 = arith.mulf %gather3A_238, %gather3A_239 : vector<16xf32>
      %add3A_241 = arith.addf %add3A_235, %mul3A_240 : vector<16xf32>
      %broadcast_in_dim3A_242 = arith.constant 34 : i32
      %broadcast_in_dim3A_243 = vector.broadcast %broadcast_in_dim3A_242 : i32 to vector<16xi32>
      %gather3A_244 = tpu.vector_load_idx %arg12[%add3A_33, %broadcast_in_dim3A_243] : memref<512x64xf32, #tpu.memory_space<vmem>>[vector<16xi32>, vector<16xi32>], vector<16xf32>,
      %gather3A_245 = tpu.vector_load_idx %arg13[%add3A_33, %broadcast_in_dim3A_243] : memref<512x64xf32, #tpu.memory_space<vmem>>[vector<16xi32>, vector<16xi32>], vector<16xf32>,
      %mul3A_246 = arith.mulf %gather3A_244, %gather3A_245 : vector<16xf32>
      %add3A_247 = arith.addf %add3A_241, %mul3A_246 : vector<16xf32>
      %broadcast_in_dim3A_248 = arith.constant 35 : i32
      %broadcast_in_dim3A_249 = vector.broadcast %broadcast_in_dim3A_248 : i32 to vector<16xi32>
      %gather3A_250 = tpu.vector_load_idx %arg12[%add3A_33, %broadcast_in_dim3A_249] : memref<512x64xf32, #tpu.memory_space<vmem>>[vector<16xi32>, vector<16xi32>], vector<16xf32>,
      %gather3A_251 = tpu.vector_load_idx %arg13[%add3A_33, %broadcast_in_dim3A_249] : memref<512x64xf32, #tpu.memory_space<vmem>>[vector<16xi32>, vector<16xi32>], vector<16xf32>,
      %mul3A_252 = arith.mulf %gather3A_250, %gather3A_251 : vector<16xf32>
      %add3A_253 = arith.addf %add3A_247, %mul3A_252 : vector<16xf32>
      %broadcast_in_dim3A_254 = arith.constant 36 : i32
      %broadcast_in_dim3A_255 = vector.broadcast %broadcast_in_dim3A_254 : i32 to vector<16xi32>
      %gather3A_256 = tpu.vector_load_idx %arg12[%add3A_33, %broadcast_in_dim3A_255] : memref<512x64xf32, #tpu.memory_space<vmem>>[vector<16xi32>, vector<16xi32>], vector<16xf32>,
      %gather3A_257 = tpu.vector_load_idx %arg13[%add3A_33, %broadcast_in_dim3A_255] : memref<512x64xf32, #tpu.memory_space<vmem>>[vector<16xi32>, vector<16xi32>], vector<16xf32>,
      %mul3A_258 = arith.mulf %gather3A_256, %gather3A_257 : vector<16xf32>
      %add3A_259 = arith.addf %add3A_253, %mul3A_258 : vector<16xf32>
      %broadcast_in_dim3A_260 = arith.constant 37 : i32
      %broadcast_in_dim3A_261 = vector.broadcast %broadcast_in_dim3A_260 : i32 to vector<16xi32>
      %gather3A_262 = tpu.vector_load_idx %arg12[%add3A_33, %broadcast_in_dim3A_261] : memref<512x64xf32, #tpu.memory_space<vmem>>[vector<16xi32>, vector<16xi32>], vector<16xf32>,
      %gather3A_263 = tpu.vector_load_idx %arg13[%add3A_33, %broadcast_in_dim3A_261] : memref<512x64xf32, #tpu.memory_space<vmem>>[vector<16xi32>, vector<16xi32>], vector<16xf32>,
      %mul3A_264 = arith.mulf %gather3A_262, %gather3A_263 : vector<16xf32>
      %add3A_265 = arith.addf %add3A_259, %mul3A_264 : vector<16xf32>
      %broadcast_in_dim3A_266 = arith.constant 38 : i32
      %broadcast_in_dim3A_267 = vector.broadcast %broadcast_in_dim3A_266 : i32 to vector<16xi32>
      %gather3A_268 = tpu.vector_load_idx %arg12[%add3A_33, %broadcast_in_dim3A_267] : memref<512x64xf32, #tpu.memory_space<vmem>>[vector<16xi32>, vector<16xi32>], vector<16xf32>,
      %gather3A_269 = tpu.vector_load_idx %arg13[%add3A_33, %broadcast_in_dim3A_267] : memref<512x64xf32, #tpu.memory_space<vmem>>[vector<16xi32>, vector<16xi32>], vector<16xf32>,
      %mul3A_270 = arith.mulf %gather3A_268, %gather3A_269 : vector<16xf32>
      %add3A_271 = arith.addf %add3A_265, %mul3A_270 : vector<16xf32>
      %broadcast_in_dim3A_272 = arith.constant 39 : i32
      %broadcast_in_dim3A_273 = vector.broadcast %broadcast_in_dim3A_272 : i32 to vector<16xi32>
      %gather3A_274 = tpu.vector_load_idx %arg12[%add3A_33, %broadcast_in_dim3A_273] : memref<512x64xf32, #tpu.memory_space<vmem>>[vector<16xi32>, vector<16xi32>], vector<16xf32>,
      %gather3A_275 = tpu.vector_load_idx %arg13[%add3A_33, %broadcast_in_dim3A_273] : memref<512x64xf32, #tpu.memory_space<vmem>>[vector<16xi32>, vector<16xi32>], vector<16xf32>,
      %mul3A_276 = arith.mulf %gather3A_274, %gather3A_275 : vector<16xf32>
      %add3A_277 = arith.addf %add3A_271, %mul3A_276 : vector<16xf32>
      %broadcast_in_dim3A_278 = arith.constant 40 : i32
      %broadcast_in_dim3A_279 = vector.broadcast %broadcast_in_dim3A_278 : i32 to vector<16xi32>
      %gather3A_280 = tpu.vector_load_idx %arg12[%add3A_33, %broadcast_in_dim3A_279] : memref<512x64xf32, #tpu.memory_space<vmem>>[vector<16xi32>, vector<16xi32>], vector<16xf32>,
      %gather3A_281 = tpu.vector_load_idx %arg13[%add3A_33, %broadcast_in_dim3A_279] : memref<512x64xf32, #tpu.memory_space<vmem>>[vector<16xi32>, vector<16xi32>], vector<16xf32>,
      %mul3A_282 = arith.mulf %gather3A_280, %gather3A_281 : vector<16xf32>
      %add3A_283 = arith.addf %add3A_277, %mul3A_282 : vector<16xf32>
      %broadcast_in_dim3A_284 = arith.constant 41 : i32
      %broadcast_in_dim3A_285 = vector.broadcast %broadcast_in_dim3A_284 : i32 to vector<16xi32>
      %gather3A_286 = tpu.vector_load_idx %arg12[%add3A_33, %broadcast_in_dim3A_285] : memref<512x64xf32, #tpu.memory_space<vmem>>[vector<16xi32>, vector<16xi32>], vector<16xf32>,
      %gather3A_287 = tpu.vector_load_idx %arg13[%add3A_33, %broadcast_in_dim3A_285] : memref<512x64xf32, #tpu.memory_space<vmem>>[vector<16xi32>, vector<16xi32>], vector<16xf32>,
      %mul3A_288 = arith.mulf %gather3A_286, %gather3A_287 : vector<16xf32>
      %add3A_289 = arith.addf %add3A_283, %mul3A_288 : vector<16xf32>
      %broadcast_in_dim3A_290 = arith.constant 42 : i32
      %broadcast_in_dim3A_291 = vector.broadcast %broadcast_in_dim3A_290 : i32 to vector<16xi32>
      %gather3A_292 = tpu.vector_load_idx %arg12[%add3A_33, %broadcast_in_dim3A_291] : memref<512x64xf32, #tpu.memory_space<vmem>>[vector<16xi32>, vector<16xi32>], vector<16xf32>,
      %gather3A_293 = tpu.vector_load_idx %arg13[%add3A_33, %broadcast_in_dim3A_291] : memref<512x64xf32, #tpu.memory_space<vmem>>[vector<16xi32>, vector<16xi32>], vector<16xf32>,
      %mul3A_294 = arith.mulf %gather3A_292, %gather3A_293 : vector<16xf32>
      %add3A_295 = arith.addf %add3A_289, %mul3A_294 : vector<16xf32>
      %broadcast_in_dim3A_296 = arith.constant 43 : i32
      %broadcast_in_dim3A_297 = vector.broadcast %broadcast_in_dim3A_296 : i32 to vector<16xi32>
      %gather3A_298 = tpu.vector_load_idx %arg12[%add3A_33, %broadcast_in_dim3A_297] : memref<512x64xf32, #tpu.memory_space<vmem>>[vector<16xi32>, vector<16xi32>], vector<16xf32>,
      %gather3A_299 = tpu.vector_load_idx %arg13[%add3A_33, %broadcast_in_dim3A_297] : memref<512x64xf32, #tpu.memory_space<vmem>>[vector<16xi32>, vector<16xi32>], vector<16xf32>,
      %mul3A_300 = arith.mulf %gather3A_298, %gather3A_299 : vector<16xf32>
      %add3A_301 = arith.addf %add3A_295, %mul3A_300 : vector<16xf32>
      %broadcast_in_dim3A_302 = arith.constant 44 : i32
      %broadcast_in_dim3A_303 = vector.broadcast %broadcast_in_dim3A_302 : i32 to vector<16xi32>
      %gather3A_304 = tpu.vector_load_idx %arg12[%add3A_33, %broadcast_in_dim3A_303] : memref<512x64xf32, #tpu.memory_space<vmem>>[vector<16xi32>, vector<16xi32>], vector<16xf32>,
      %gather3A_305 = tpu.vector_load_idx %arg13[%add3A_33, %broadcast_in_dim3A_303] : memref<512x64xf32, #tpu.memory_space<vmem>>[vector<16xi32>, vector<16xi32>], vector<16xf32>,
      %mul3A_306 = arith.mulf %gather3A_304, %gather3A_305 : vector<16xf32>
      %add3A_307 = arith.addf %add3A_301, %mul3A_306 : vector<16xf32>
      %broadcast_in_dim3A_308 = arith.constant 45 : i32
      %broadcast_in_dim3A_309 = vector.broadcast %broadcast_in_dim3A_308 : i32 to vector<16xi32>
      %gather3A_310 = tpu.vector_load_idx %arg12[%add3A_33, %broadcast_in_dim3A_309] : memref<512x64xf32, #tpu.memory_space<vmem>>[vector<16xi32>, vector<16xi32>], vector<16xf32>,
      %gather3A_311 = tpu.vector_load_idx %arg13[%add3A_33, %broadcast_in_dim3A_309] : memref<512x64xf32, #tpu.memory_space<vmem>>[vector<16xi32>, vector<16xi32>], vector<16xf32>,
      %mul3A_312 = arith.mulf %gather3A_310, %gather3A_311 : vector<16xf32>
      %add3A_313 = arith.addf %add3A_307, %mul3A_312 : vector<16xf32>
      %broadcast_in_dim3A_314 = arith.constant 46 : i32
      %broadcast_in_dim3A_315 = vector.broadcast %broadcast_in_dim3A_314 : i32 to vector<16xi32>
      %gather3A_316 = tpu.vector_load_idx %arg12[%add3A_33, %broadcast_in_dim3A_315] : memref<512x64xf32, #tpu.memory_space<vmem>>[vector<16xi32>, vector<16xi32>], vector<16xf32>,
      %gather3A_317 = tpu.vector_load_idx %arg13[%add3A_33, %broadcast_in_dim3A_315] : memref<512x64xf32, #tpu.memory_space<vmem>>[vector<16xi32>, vector<16xi32>], vector<16xf32>,
      %mul3A_318 = arith.mulf %gather3A_316, %gather3A_317 : vector<16xf32>
      %add3A_319 = arith.addf %add3A_313, %mul3A_318 : vector<16xf32>
      %broadcast_in_dim3A_320 = arith.constant 47 : i32
      %broadcast_in_dim3A_321 = vector.broadcast %broadcast_in_dim3A_320 : i32 to vector<16xi32>
      %gather3A_322 = tpu.vector_load_idx %arg12[%add3A_33, %broadcast_in_dim3A_321] : memref<512x64xf32, #tpu.memory_space<vmem>>[vector<16xi32>, vector<16xi32>], vector<16xf32>,
      %gather3A_323 = tpu.vector_load_idx %arg13[%add3A_33, %broadcast_in_dim3A_321] : memref<512x64xf32, #tpu.memory_space<vmem>>[vector<16xi32>, vector<16xi32>], vector<16xf32>,
      %mul3A_324 = arith.mulf %gather3A_322, %gather3A_323 : vector<16xf32>
      %add3A_325 = arith.addf %add3A_319, %mul3A_324 : vector<16xf32>
      %broadcast_in_dim3A_326 = arith.constant 48 : i32
      %broadcast_in_dim3A_327 = vector.broadcast %broadcast_in_dim3A_326 : i32 to vector<16xi32>
      %gather3A_328 = tpu.vector_load_idx %arg12[%add3A_33, %broadcast_in_dim3A_327] : memref<512x64xf32, #tpu.memory_space<vmem>>[vector<16xi32>, vector<16xi32>], vector<16xf32>,
      %gather3A_329 = tpu.vector_load_idx %arg13[%add3A_33, %broadcast_in_dim3A_327] : memref<512x64xf32, #tpu.memory_space<vmem>>[vector<16xi32>, vector<16xi32>], vector<16xf32>,
      %mul3A_330 = arith.mulf %gather3A_328, %gather3A_329 : vector<16xf32>
      %add3A_331 = arith.addf %add3A_325, %mul3A_330 : vector<16xf32>
      %broadcast_in_dim3A_332 = arith.constant 49 : i32
      %broadcast_in_dim3A_333 = vector.broadcast %broadcast_in_dim3A_332 : i32 to vector<16xi32>
      %gather3A_334 = tpu.vector_load_idx %arg12[%add3A_33, %broadcast_in_dim3A_333] : memref<512x64xf32, #tpu.memory_space<vmem>>[vector<16xi32>, vector<16xi32>], vector<16xf32>,
      %gather3A_335 = tpu.vector_load_idx %arg13[%add3A_33, %broadcast_in_dim3A_333] : memref<512x64xf32, #tpu.memory_space<vmem>>[vector<16xi32>, vector<16xi32>], vector<16xf32>,
      %mul3A_336 = arith.mulf %gather3A_334, %gather3A_335 : vector<16xf32>
      %add3A_337 = arith.addf %add3A_331, %mul3A_336 : vector<16xf32>
      %broadcast_in_dim3A_338 = arith.constant 50 : i32
      %broadcast_in_dim3A_339 = vector.broadcast %broadcast_in_dim3A_338 : i32 to vector<16xi32>
      %gather3A_340 = tpu.vector_load_idx %arg12[%add3A_33, %broadcast_in_dim3A_339] : memref<512x64xf32, #tpu.memory_space<vmem>>[vector<16xi32>, vector<16xi32>], vector<16xf32>,
      %gather3A_341 = tpu.vector_load_idx %arg13[%add3A_33, %broadcast_in_dim3A_339] : memref<512x64xf32, #tpu.memory_space<vmem>>[vector<16xi32>, vector<16xi32>], vector<16xf32>,
      %mul3A_342 = arith.mulf %gather3A_340, %gather3A_341 : vector<16xf32>
      %add3A_343 = arith.addf %add3A_337, %mul3A_342 : vector<16xf32>
      %broadcast_in_dim3A_344 = arith.constant 51 : i32
      %broadcast_in_dim3A_345 = vector.broadcast %broadcast_in_dim3A_344 : i32 to vector<16xi32>
      %gather3A_346 = tpu.vector_load_idx %arg12[%add3A_33, %broadcast_in_dim3A_345] : memref<512x64xf32, #tpu.memory_space<vmem>>[vector<16xi32>, vector<16xi32>], vector<16xf32>,
      %gather3A_347 = tpu.vector_load_idx %arg13[%add3A_33, %broadcast_in_dim3A_345] : memref<512x64xf32, #tpu.memory_space<vmem>>[vector<16xi32>, vector<16xi32>], vector<16xf32>,
      %mul3A_348 = arith.mulf %gather3A_346, %gather3A_347 : vector<16xf32>
      %add3A_349 = arith.addf %add3A_343, %mul3A_348 : vector<16xf32>
      %broadcast_in_dim3A_350 = arith.constant 52 : i32
      %broadcast_in_dim3A_351 = vector.broadcast %broadcast_in_dim3A_350 : i32 to vector<16xi32>
      %gather3A_352 = tpu.vector_load_idx %arg12[%add3A_33, %broadcast_in_dim3A_351] : memref<512x64xf32, #tpu.memory_space<vmem>>[vector<16xi32>, vector<16xi32>], vector<16xf32>,
      %gather3A_353 = tpu.vector_load_idx %arg13[%add3A_33, %broadcast_in_dim3A_351] : memref<512x64xf32, #tpu.memory_space<vmem>>[vector<16xi32>, vector<16xi32>], vector<16xf32>,
      %mul3A_354 = arith.mulf %gather3A_352, %gather3A_353 : vector<16xf32>
      %add3A_355 = arith.addf %add3A_349, %mul3A_354 : vector<16xf32>
      %broadcast_in_dim3A_356 = arith.constant 53 : i32
      %broadcast_in_dim3A_357 = vector.broadcast %broadcast_in_dim3A_356 : i32 to vector<16xi32>
      %gather3A_358 = tpu.vector_load_idx %arg12[%add3A_33, %broadcast_in_dim3A_357] : memref<512x64xf32, #tpu.memory_space<vmem>>[vector<16xi32>, vector<16xi32>], vector<16xf32>,
      %gather3A_359 = tpu.vector_load_idx %arg13[%add3A_33, %broadcast_in_dim3A_357] : memref<512x64xf32, #tpu.memory_space<vmem>>[vector<16xi32>, vector<16xi32>], vector<16xf32>,
      %mul3A_360 = arith.mulf %gather3A_358, %gather3A_359 : vector<16xf32>
      %add3A_361 = arith.addf %add3A_355, %mul3A_360 : vector<16xf32>
      %broadcast_in_dim3A_362 = arith.constant 54 : i32
      %broadcast_in_dim3A_363 = vector.broadcast %broadcast_in_dim3A_362 : i32 to vector<16xi32>
      %gather3A_364 = tpu.vector_load_idx %arg12[%add3A_33, %broadcast_in_dim3A_363] : memref<512x64xf32, #tpu.memory_space<vmem>>[vector<16xi32>, vector<16xi32>], vector<16xf32>,
      %gather3A_365 = tpu.vector_load_idx %arg13[%add3A_33, %broadcast_in_dim3A_363] : memref<512x64xf32, #tpu.memory_space<vmem>>[vector<16xi32>, vector<16xi32>], vector<16xf32>,
      %mul3A_366 = arith.mulf %gather3A_364, %gather3A_365 : vector<16xf32>
      %add3A_367 = arith.addf %add3A_361, %mul3A_366 : vector<16xf32>
      %broadcast_in_dim3A_368 = arith.constant 55 : i32
      %broadcast_in_dim3A_369 = vector.broadcast %broadcast_in_dim3A_368 : i32 to vector<16xi32>
      %gather3A_370 = tpu.vector_load_idx %arg12[%add3A_33, %broadcast_in_dim3A_369] : memref<512x64xf32, #tpu.memory_space<vmem>>[vector<16xi32>, vector<16xi32>], vector<16xf32>,
      %gather3A_371 = tpu.vector_load_idx %arg13[%add3A_33, %broadcast_in_dim3A_369] : memref<512x64xf32, #tpu.memory_space<vmem>>[vector<16xi32>, vector<16xi32>], vector<16xf32>,
      %mul3A_372 = arith.mulf %gather3A_370, %gather3A_371 : vector<16xf32>
      %add3A_373 = arith.addf %add3A_367, %mul3A_372 : vector<16xf32>
      %broadcast_in_dim3A_374 = arith.constant 56 : i32
      %broadcast_in_dim3A_375 = vector.broadcast %broadcast_in_dim3A_374 : i32 to vector<16xi32>
      %gather3A_376 = tpu.vector_load_idx %arg12[%add3A_33, %broadcast_in_dim3A_375] : memref<512x64xf32, #tpu.memory_space<vmem>>[vector<16xi32>, vector<16xi32>], vector<16xf32>,
      %gather3A_377 = tpu.vector_load_idx %arg13[%add3A_33, %broadcast_in_dim3A_375] : memref<512x64xf32, #tpu.memory_space<vmem>>[vector<16xi32>, vector<16xi32>], vector<16xf32>,
      %mul3A_378 = arith.mulf %gather3A_376, %gather3A_377 : vector<16xf32>
      %add3A_379 = arith.addf %add3A_373, %mul3A_378 : vector<16xf32>
      %broadcast_in_dim3A_380 = arith.constant 57 : i32
      %broadcast_in_dim3A_381 = vector.broadcast %broadcast_in_dim3A_380 : i32 to vector<16xi32>
      %gather3A_382 = tpu.vector_load_idx %arg12[%add3A_33, %broadcast_in_dim3A_381] : memref<512x64xf32, #tpu.memory_space<vmem>>[vector<16xi32>, vector<16xi32>], vector<16xf32>,
      %gather3A_383 = tpu.vector_load_idx %arg13[%add3A_33, %broadcast_in_dim3A_381] : memref<512x64xf32, #tpu.memory_space<vmem>>[vector<16xi32>, vector<16xi32>], vector<16xf32>,
      %mul3A_384 = arith.mulf %gather3A_382, %gather3A_383 : vector<16xf32>
      %add3A_385 = arith.addf %add3A_379, %mul3A_384 : vector<16xf32>
      %broadcast_in_dim3A_386 = arith.constant 58 : i32
      %broadcast_in_dim3A_387 = vector.broadcast %broadcast_in_dim3A_386 : i32 to vector<16xi32>
      %gather3A_388 = tpu.vector_load_idx %arg12[%add3A_33, %broadcast_in_dim3A_387] : memref<512x64xf32, #tpu.memory_space<vmem>>[vector<16xi32>, vector<16xi32>], vector<16xf32>,
      %gather3A_389 = tpu.vector_load_idx %arg13[%add3A_33, %broadcast_in_dim3A_387] : memref<512x64xf32, #tpu.memory_space<vmem>>[vector<16xi32>, vector<16xi32>], vector<16xf32>,
      %mul3A_390 = arith.mulf %gather3A_388, %gather3A_389 : vector<16xf32>
      %add3A_391 = arith.addf %add3A_385, %mul3A_390 : vector<16xf32>
      %broadcast_in_dim3A_392 = arith.constant 59 : i32
      %broadcast_in_dim3A_393 = vector.broadcast %broadcast_in_dim3A_392 : i32 to vector<16xi32>
      %gather3A_394 = tpu.vector_load_idx %arg12[%add3A_33, %broadcast_in_dim3A_393] : memref<512x64xf32, #tpu.memory_space<vmem>>[vector<16xi32>, vector<16xi32>], vector<16xf32>,
      %gather3A_395 = tpu.vector_load_idx %arg13[%add3A_33, %broadcast_in_dim3A_393] : memref<512x64xf32, #tpu.memory_space<vmem>>[vector<16xi32>, vector<16xi32>], vector<16xf32>,
      %mul3A_396 = arith.mulf %gather3A_394, %gather3A_395 : vector<16xf32>
      %add3A_397 = arith.addf %add3A_391, %mul3A_396 : vector<16xf32>
      %broadcast_in_dim3A_398 = arith.constant 60 : i32
      %broadcast_in_dim3A_399 = vector.broadcast %broadcast_in_dim3A_398 : i32 to vector<16xi32>
      %gather3A_400 = tpu.vector_load_idx %arg12[%add3A_33, %broadcast_in_dim3A_399] : memref<512x64xf32, #tpu.memory_space<vmem>>[vector<16xi32>, vector<16xi32>], vector<16xf32>,
      %gather3A_401 = tpu.vector_load_idx %arg13[%add3A_33, %broadcast_in_dim3A_399] : memref<512x64xf32, #tpu.memory_space<vmem>>[vector<16xi32>, vector<16xi32>], vector<16xf32>,
      %mul3A_402 = arith.mulf %gather3A_400, %gather3A_401 : vector<16xf32>
      %add3A_403 = arith.addf %add3A_397, %mul3A_402 : vector<16xf32>
      %broadcast_in_dim3A_404 = arith.constant 61 : i32
      %broadcast_in_dim3A_405 = vector.broadcast %broadcast_in_dim3A_404 : i32 to vector<16xi32>
      %gather3A_406 = tpu.vector_load_idx %arg12[%add3A_33, %broadcast_in_dim3A_405] : memref<512x64xf32, #tpu.memory_space<vmem>>[vector<16xi32>, vector<16xi32>], vector<16xf32>,
      %gather3A_407 = tpu.vector_load_idx %arg13[%add3A_33, %broadcast_in_dim3A_405] : memref<512x64xf32, #tpu.memory_space<vmem>>[vector<16xi32>, vector<16xi32>], vector<16xf32>,
      %mul3A_408 = arith.mulf %gather3A_406, %gather3A_407 : vector<16xf32>
      %add3A_409 = arith.addf %add3A_403, %mul3A_408 : vector<16xf32>
      %broadcast_in_dim3A_410 = arith.constant 62 : i32
      %broadcast_in_dim3A_411 = vector.broadcast %broadcast_in_dim3A_410 : i32 to vector<16xi32>
      %gather3A_412 = tpu.vector_load_idx %arg12[%add3A_33, %broadcast_in_dim3A_411] : memref<512x64xf32, #tpu.memory_space<vmem>>[vector<16xi32>, vector<16xi32>], vector<16xf32>,
      %gather3A_413 = tpu.vector_load_idx %arg13[%add3A_33, %broadcast_in_dim3A_411] : memref<512x64xf32, #tpu.memory_space<vmem>>[vector<16xi32>, vector<16xi32>], vector<16xf32>,
      %mul3A_414 = arith.mulf %gather3A_412, %gather3A_413 : vector<16xf32>
      %add3A_415 = arith.addf %add3A_409, %mul3A_414 : vector<16xf32>
      %broadcast_in_dim3A_416 = arith.constant 63 : i32
      %broadcast_in_dim3A_417 = vector.broadcast %broadcast_in_dim3A_416 : i32 to vector<16xi32>
      %gather3A_418 = tpu.vector_load_idx %arg12[%add3A_33, %broadcast_in_dim3A_417] : memref<512x64xf32, #tpu.memory_space<vmem>>[vector<16xi32>, vector<16xi32>], vector<16xf32>,
      %gather3A_419 = tpu.vector_load_idx %arg13[%add3A_33, %broadcast_in_dim3A_417] : memref<512x64xf32, #tpu.memory_space<vmem>>[vector<16xi32>, vector<16xi32>], vector<16xf32>,
      %mul3A_420 = arith.mulf %gather3A_418, %gather3A_419 : vector<16xf32>
      %add3A_421 = arith.addf %add3A_415, %mul3A_420 : vector<16xf32>
      %swap3A = arith.index_cast %mul3A_29 : i32 to index
      %swap3A_422 = tpu.vector_load %arg17[%swap3A] {strides = array<i32>} : memref<512xf32, #tpu.memory_space<vmem>>, vector<16xf32>,
      tpu.vector_store %arg17[%swap3A], %add3A_421 {strides = array<i32>} : memref<512xf32, #tpu.memory_space<vmem>>, vector<16xf32>,
    }
    %scan3A_26 = arith.constant 32 : i32
    "tpu.region"() ({
      %run_scoped3A = tpu.sem_alloc : memref<!tpu.dma_semaphore, #tpu.memory_space<semaphore_mem>>
      %dma_start3A_27 = tpu.memref_slice %arg9[%mul3A_2] : memref<16384xf32, #tpu.memory_space<hbm>> -> memref<512xf32, #tpu.memory_space<hbm>>
      %dma_start3A_28 = tpu.memref_slice %arg9[%mul3A_2] : memref<16384xf32, #tpu.memory_space<hbm>> -> memref<512xf32, #tpu.memory_space<hbm>>
      tpu.enqueue_dma source(%arg17 : memref<512xf32, #tpu.memory_space<vmem>>) target(%dma_start3A_28 : memref<512xf32, #tpu.memory_space<hbm>>) target_semaphore(%run_scoped3A : memref<!tpu.dma_semaphore, #tpu.memory_space<semaphore_mem>>)
      %dma_wait3A_29 = tpu.memref_slice %arg9[%mul3A_2] : memref<16384xf32, #tpu.memory_space<hbm>> -> memref<512xf32, #tpu.memory_space<hbm>>
      %dma_wait3A_30 = tpu.memref_slice %arg9[%mul3A_2] : memref<16384xf32, #tpu.memory_space<hbm>> -> memref<512xf32, #tpu.memory_space<hbm>>
      tpu.wait_dma2 semaphore(%run_scoped3A : memref<!tpu.dma_semaphore, #tpu.memory_space<semaphore_mem>>) src(%arg17 : memref<512xf32, #tpu.memory_space<vmem>>) dst(%dma_wait3A_30 : memref<512xf32, #tpu.memory_space<hbm>>)
      tpu.yield
    }) : () -> ()
    return
  }
}

</mosaic_0001>

<sc_bundles>
// kernel: kernel.3.cloned.1.call-start
scs
__scs_entry_jumppad:
0x0: {  	(pc) =	sbr.rel $0x88, $3  }
0x1: {  	(tag) =	ssettag $0x0;
	lr =	simm.s32 $0x1  }
0x2: {  	[smem:$0x3F9A] =	sst lr;
	_ =	strace $0xD0000000  }
0x3: {  	_ = 	snop  }
0x4: {  	_ = 	snop  }
0x5: {  	_ = 	snop  }
0x6: {  	_ = 	snop  }
0x7: {  	_ = 	snop  }
__scs_overlays_trampoline_lowered:
0x8: {  	[smem:$0x3FA9] =	sst s0  }
0x9: {  	[smem:$0x3FAA] =	sst s1  }
0xa: {  	[smem:$0x3FAB] =	sst s2  }
0xb: {  	[smem:$0x3FAC] =	sst s3  }
0xc: {  	[smem:$0x3FAD] =	sst s4  }
0xd: {  	[smem:$0x3FAE] =	sst s5  }
0xe: {  	[smem:$0x3FAF] =	sst s6  }
0xf: {  	[smem:$0x3FB0] =	sst s7  }
0x10: {  	[smem:$0x3FB1] =	sst s8  }
0x11: {  	[smem:$0x3FB2] =	sst s9;
	s0 =	simm.s32 @!p0 $0x0  }
0x12: {  	s1 =	sld [smem:$0x3F98];
	s0 =	simm.s32 @p0 $0x1  }
0x13: {  	[smem:$0x3FB3] =	sst s0;
	s0 =	simm.s32 @!p1 $0x0  }
0x14: {  	s2 =	sld [smem:$0x3F97];
	s0 =	simm.s32 @p1 $0x1  }
0x15: {  	[smem:$0x3FB4] =	sst s0;
	s0 =	simm.s32 @!p2 $0x0  }
0x16: {  	s3 =	sld [smem:$0x3FDB];
	s0 =	simm.s32 @p2 $0x1  }
0x17: {  	s4 =	simm.s32 $0x1BF5;
	[smem:$0x3FB6] =	sst s0  }
0x18: {  	s0 =	sld [smem:$0x3F99];
	_ =	swait.ge [sflag:s4], $0x0  }
0x19: {  	s7 =	sld [smem:$0x3F9A]  }
0x1a: {  	s8 =	sadd.s32 $0xFFFFE003, lr  }
0x1b: {  	s9 =	sadd.s32 $0xFFFFFEF7, lr;
	s5 =	simm.s32 $0xFFFFFFFF;
	p2 =	slt.u32 s8, $0xFFFFF086  }
0x1c: {  	p1 =	slt.u32 s9, $0xF7A;
	s5 =	simm.s32 @!p2 $0x0  }
0x1d: {  	s5 =	simm.s32 @p1 $0x1;
	p0 =	seq.s32 s7, s2  }
0x1e: {  	s7 =	smul.u32 @!p0 $0xF7A, s2;
	p2 =	seq.s32 @!p0 s5, $0x0  }
0x1f: {  	s9 =	smul.u32 $0xF7A, s1;
	s8 =	simm.s32 @!p0 $0x1BF5;
	p2 =	por !p2, p0  }
0x20: {  	[sflag:s8] =	ssyncset.s32 @!p0 $0xFFFFF086;
	s6 =	sadd.s32 @!p0 s3, s7;
	s7 =	simm.s32 @!p0 $0x108  }
0x21: {  	s3 =	sadd.s32 s3, s9;
	s6 =	sadd.s32 @!p0 $0x88, s6;
	s7 =	simm.s32 @p2 $0x1082  }
0x22: {  	[simem:s7], [sflag:s8] =	dma.local @!p0 [hbm:s6], $0xF7A  }
0x23: {  	s9 =	sor.u32 $0xD0000000, s2;
	s6 =	simm.s32 $0x108;
	_ =	swait.ge @!p0 [sflag:s8], $0x0  }
0x24: {  	s3 =	sadd.s32 $0x88, s3;
	s6 =	simm.s32 @!p1 $0x1082;
	[sflag:s4] =	ssyncset.s32 $0xFFFFF086  }
0x25: {  	[simem:s6], [sflag:s4] =	dma.local [hbm:s3], $0xF7A  }
0x26: {  	[smem:$0x3F9A] =	sst s1;
	(tag) =	ssettag s2;
	_ =	strace s9  }
0x27: {  	s1 =	sld [smem:$0x3FAA]  }
0x28: {  	s2 =	sld [smem:$0x3FAB]  }
0x29: {  	s4 =	sld [smem:$0x3FAD]  }
0x2a: {  	p0 =	seq.s32 s5, $0x0;
	s5 =	sld [smem:$0x3FAE]  }
0x2b: {  	s6 =	sld [smem:$0x3FAF]  }
0x2c: {  	s7 =	sld [smem:$0x3FB0]  }
0x2d: {  	s3 =	simm.s32 $0x108;
	s8 =	sld [smem:$0x3FB1]  }
0x2e: {  	s3 =	simm.s32 @!p0 $0x1082;
	s9 =	sld [smem:$0x3FB2]  }
0x2f: {  	lr =	sadd.s32 s0, s3;
	s0 =	sld [smem:$0x3FA9]  }
0x30: {  	s3 =	sld [smem:$0x3FAC]  }
0x31: {  	[smem:$0x3FB5] =	sst s10  }
0x32: {  	s10 =	sld [smem:$0x3FB3];
	_ =	sdelay $0x3  }
0x33: {  	p0 =	seq.s32 s10, $0x1;
	s10 =	sld [smem:$0x3FB5];
	_ =	sdelay $0x3  }
0x34: {  	[smem:$0x3FB5] =	sst s10  }
0x35: {  	s10 =	sld [smem:$0x3FB4];
	_ =	sdelay $0x3  }
0x36: {  	p1 =	seq.s32 s10, $0x1;
	s10 =	sld [smem:$0x3FB5];
	_ =	sdelay $0x3  }
0x37: {  	[smem:$0x3FB5] =	sst s10  }
0x38: {  	s10 =	sld [smem:$0x3FB6]  }
0x39: {  	_ = 	snop;
	(pc) =	sbr.ind lr, $3  }
0x3a: {  	_ = 	snop  }
0x3b: {  	_ = 	snop  }
0x3c: {  	p2 =	seq.s32 s10, $0x1;
	s10 =	sld [smem:$0x3FB5]  }
0x3d: {  	_ =	shalt  }
0x3e: {  	_ =	shalt  }
0x3f: {  	_ =	shalt  }
0x40: {  	_ =	shalt  }
0x41: {  	_ =	shalt  }
0x42: {  	_ =	shalt  }
0x43: {  	_ =	shalt  }
0x44: {  	_ =	shalt  }
0x45: {  	_ =	shalt  }
0x46: {  	_ =	shalt  }
0x47: {  	_ =	shalt  }
0x48: {  	_ =	shalt  }
0x49: {  	_ =	shalt  }
0x4a: {  	_ =	shalt  }
0x4b: {  	_ =	shalt  }
0x4c: {  	_ =	shalt  }
0x4d: {  	_ =	shalt  }
0x4e: {  	_ =	shalt  }
0x4f: {  	_ =	shalt  }
0x50: {  	_ =	shalt  }
0x51: {  	_ =	shalt  }
0x52: {  	_ =	shalt  }
0x53: {  	_ =	shalt  }
0x54: {  	_ =	shalt  }
0x55: {  	_ =	shalt  }
0x56: {  	_ =	shalt  }
0x57: {  	_ =	shalt  }
0x58: {  	_ =	shalt  }
0x59: {  	_ =	shalt  }
0x5a: {  	_ =	shalt  }
0x5b: {  	_ =	shalt  }
0x5c: {  	_ =	shalt  }
0x5d: {  	_ =	shalt  }
0x5e: {  	_ =	shalt  }
0x5f: {  	_ =	shalt  }
0x60: {  	_ =	shalt  }
0x61: {  	_ =	shalt  }
0x62: {  	_ =	shalt  }
0x63: {  	_ =	shalt  }
0x64: {  	_ =	shalt  }
0x65: {  	_ =	shalt  }
0x66: {  	_ =	shalt  }
0x67: {  	_ =	shalt  }
0x68: {  	_ =	shalt  }
0x69: {  	_ =	shalt  }
0x6a: {  	_ =	shalt  }
0x6b: {  	_ =	shalt  }
0x6c: {  	_ =	shalt  }
0x6d: {  	_ =	shalt  }
0x6e: {  	_ =	shalt  }
0x6f: {  	_ =	shalt  }
0x70: {  	_ =	shalt  }
0x71: {  	_ =	shalt  }
0x72: {  	_ =	shalt  }
0x73: {  	_ =	shalt  }
0x74: {  	_ =	shalt  }
0x75: {  	_ =	shalt  }
0x76: {  	_ =	shalt  }
0x77: {  	_ =	shalt  }
0x78: {  	_ =	shalt  }
0x79: {  	_ =	shalt  }
0x7a: {  	_ =	shalt  }
0x7b: {  	_ =	shalt  }
0x7c: {  	_ =	shalt  }
0x7d: {  	_ =	shalt  }
0x7e: {  	_ =	shalt  }
0x7f: {  	_ =	shalt  }
0x80: {  	_ =	shalt  }
0x81: {  	_ =	shalt  }
0x82: {  	_ =	shalt  }
0x83: {  	_ =	shalt  }
0x84: {  	_ =	shalt  }
0x85: {  	_ =	shalt  }
0x86: {  	_ =	shalt  }
0x87: {  	_ =	shalt  }
.Lfunc_end0:
.L_simem_size_0:
called_computation_lowered:
.L_overlay_start_0:
0x88: {  	s2 =	sld [smem:$0x3FD9]  }
0x89: {  	s3 =	sld [smem:$0x3FFE];
	_ =	sdelay $0x1  }
0x8a: {  	s1 =	srdreg.scid  }
0x8b: {  	s0 =	sand.u32 $0x1, s1  }
0x8c: {  	s17 =	sshll.u32 s0, $0xA;
	s2 =	sadd.s32 s3, s2  }
0x8d: {  	s2 =	sadd.s32 s2, s17  }
0x8e: {  	[smem:$0x3FC1] =	sst s2  }
0x8f: {  	_ = 	snop  }
0x90: {  	s2 =	sld [smem:$0x3FC9]  }
0x91: {  	s18 =	sld [smem:$0x3FC8]  }
0x92: {  	s4 =	sld [smem:$0x3FD0];
	(tm) =	ssettm $0x1  }
0x93: {  	s5 =	sld [smem:$0x3FFB];
	_ =	sdelay $0x3  }
0x94: {  	_ =	strace s5  }
0x95: {  	s5 =	sld [smem:$0x3FFC];
	_ =	sdelay $0x3  }
0x96: {  	_ =	strace s5  }
0x97: {  	s5 =	sld [smem:$0x3FFD];
	_ =	sdelay $0x3  }
0x98: {  	_ =	strace s5  }
0x99: {  	_ =	strace $0x8FFFFFFF  }
0x9a: {  	s19 =	sld [smem:$0x3FDB];
	_ =	sdelay $0x1  }
0x9b: {  	s6 =	simm.s32 $_scs_section_size  }
0x9c: {  	s7 =	simm.s32 $_size__tile_overlayer_lowered;
	s8 =	simm.s32 $_tile_overlayer_lowered  }
0x9d: {  	s22 =	simm.s32 $0x1BFF;
	s21 =	sshll.u32 s8, $0x1;
	s5 =	sadd.s32 s6, s19  }
0x9e: {  	s9 =	simm.s32 $0x0;
	s20 =	sshll.u32 s7, $0x1;
	s7 =	sadd.s32 s21, s5  }
0x9f: {  	[timem:s9], [sflag:s22] =	dma.local [hbm:s7], s20  }
0xa0: {  	_ =	swait.ge [sflag:s22], s20  }
0xa1: {  	s6 =	ssub.s32 $0x0, s20;
	[sflag:s22] =	ssyncset.done $0x0  }
0xa2: {  	[sflag:s22] =	ssyncadd.s32 s6;
	_ =	sdelay $0x1  }
0xa3: {  	s23 =	simm.s32 $0x1B8B  }
0xa4: {  	_ =	swait.ge [sflag:s23], $0x1  }
0xa5: {  	[sflag:s23] =	ssyncset.done $0x0  }
0xa6: {  	s25 =	simm.s32 $0x1B8E;
	s24 =	sld [smem:$0x3FFE];
	[sflag:s23] =	ssyncadd.s32 $0xFFFFFFFF  }
0xa7: {  	s26 =	simm.s32 $execute0_lowered;
	[smem:$0x3FD2] =	sst s25  }
0xa8: {  	s7 =	sshll.u32 s26, $0x1;
	_ =	strace $0x80000046;
	[dreg:$0x1] =	wrdreg $0xFFFFFFFF  }
0xa9: {  	s28 =	simm.s32 $_size_execute0_lowered;
	s5 =	sadd.s32 s5, s7;
	[dreg:$0x0] =	wrdreg $0x0  }
0xaa: {  	s7 =	sshll.u32 s28, $0x1;
	[dreg:$0x2] =	wrdreg s5  }
0xab: {  	[dreg:$0x3] =	wrdreg s7  }
0xac: {  	[dreg:$0x4] =	wrdreg $0xC0  }
0xad: {  	_ =	task [dreg:s9], $0x5FFFF  }
0xae: {  	[dreg:$0x1] =	wrdreg $0xFFFFFFFF  }
0xaf: {  	[dreg:$0x0] =	wrdreg $0x60  }
0xb0: {  	[dreg:$0x2] =	wrdreg s2  }
0xb1: {  	[dreg:$0x3] =	wrdreg s18  }
0xb2: {  	[dreg:$0x4] =	wrdreg s24  }
0xb3: {  	[dreg:$0x5] =	wrdreg s4  }
0xb4: {  	[dreg:$0x6] =	wrdreg $0x9  }
0xb5: {  	_ =	task.clear_ibuf [dreg:s9], $0x7FFFF;
	_ =	strace $0x90000046  }
0xb6: {  	s29 =	simm.s32 $0x9;
	_ =	strace $0x80000048  }
0xb7: {  	_ =	swait.ge [sflag:s29], $0x1  }
0xb8: {  	[sflag:s29] =	ssyncadd.s32 $0xFFFFFFFF  }
0xb9: {  	_ =	strace $0x90000048  }
0xba: {  	_ =	sfence  }
0xbb: {  	s30 =	sld [smem:$0x0];
	_ =	sdelay $0x2  }
0xbc: {  	s31 =	sshll.u32 s1, $0xD;
	s1 =	sshrl.u32 s1, $0x2  }
0xbd: {  	s3 =	sand.u32 $0x4000, s31;
	s1 =	sadd.s32 s1, s30  }
0xbe: {  	s0 =	sor.u32 s3, s0;
	s1 =	sshll.u32 s1, $0x11  }
0xbf: {  	s0 =	sor.u32 s1, s0  }
0xc0: {  	s0 =	sadd.s32 $0x8F2B, s0  }
0xc1: {  	[sflag:s0] =	ssyncadd.remote.s32 $0x1  }
0xc2: {  	_ =	sfence.sel $0xFFFF  }
0xc3: {  	[dreg:$0x0] =	wrdreg $0xFFFFFFFF;
	(pc) =	sbr.abs _section_cstart, $3  }
0xc4: {  	[dreg:$0x1] =	wrdreg $0xFFFFFFFF  }
0xc5: {  	_ =	task.clear_ibuf [dreg:s9], $0x2FFFF;
	_ =	strace $0x9FFFFFFF  }
0xc6: {  	(tm) =	ssettm $0x7FFFFFFF  }
0xc7: {  	_ =	shalt  }
tec
execute0_lowered:
.L_overlay_start_1:
0x0: {  	(tag) =	ssettag $0x1  }
0x1: {  	s8 =	rddreg [dreg:$0x0]  }
0x2: {  	s9 =	rddreg [dreg:$0x1]  }
0x3: {  	s1 =	rddreg [dreg:$0x2]  }
0x4: {  	s10 =	rddreg [dreg:$0x3]  }
0x5: {  	s0 =	rddreg [dreg:$0x4];
	s2 =	simm.s32 $0x0  }
0x6: {  	s3 =	srdreg.scid;
	s15 =	simm.s32 $0x400;
	s16 =	simm.s32 $0x8400  }
0x7: {  	s17 =	simm.s32 $0x1;
	s18 =	simm.s32 $0x10810;
	[smem:$0x7FF] =	sst s2  }
0x8: {  	s19 =	simm.s32 $0x0;
	s4 =	sadd.s32 $0x16E3600, s1;
	s5 =	sadd.s32 $0xF42400, s1  }
0x9: {  	s7 =	sand.u32 $0x1, s3;
	s6 =	sadd.s32 $0x1EA00, s1;
	s3 =	stileid.u32  }
0xa: {  	_ =	strace $0x80000047;
	s11 =	ssub.s32 $0x2, s7;
	s13 =	sshll.u32 s3, $0x7  }
0xb: {  	s14 =	sshll.u32 s7, $0x6;
	s7 =	sadd.s32 $0x3D400, s1;
	s12 =	sshrl.u32 s11, $0x1  }
0xc: {  	s31 =	sor.u32 s14, s13;
	s13 =	simm.s32 $0x200;
	s14 =	simm.s32 $0x10800  }
0xd: {  	v0 =	vlaneseq.u32;
	s11 =	ssub.s32 s11, s12;
	s8 =	sadd.s32 s8, s31;
	s9 =	sadd.s32 s9, s31  }
0xe: {  	v0 =	vmul.u32 $0x40, v0;
	s10 =	sadd.s32 s10, s31;
	s12 =	simm.s32 $0x2;
	s11 =	smax.u32 s11, $0x1  }
.LBB2_1:
0xf: {  	[tilespmem:s2], [sflag:$0x2] =	stream.linear.gather [hbm4b:s8+s2], $0x200, $0x38;
	[tilespmem:$0x10A10] =	vst v63  }
0x10: {  	_ =	swait.ge [sflag:s12], $0x200  }
0x11: {  	[sflag:s12] =	ssyncset.done $0x0  }
0x12: {  	[sflag:s12] =	ssyncadd.s32 $0xFFFFFE00  }
0x13: {  	[tilespmem:s13], [sflag:$0x2] =	stream.linear.gather [hbm4b:s9+s2], $0x200, $0x38;
	[tilespmem:$0x10A10] =	vst v63  }
0x14: {  	_ =	swait.ge [sflag:s12], $0x200  }
0x15: {  	[sflag:s12] =	ssyncset.done $0x0  }
0x16: {  	[sflag:s12] =	ssyncadd.s32 $0xFFFFFE00  }
0x17: {  	[tilespmem:s14], [sflag:$0x2] =	stream.linear.gather [hbm4b:s7+s2], $0x10, $0x38;
	[tilespmem:$0x10A10] =	vst v63  }
0x18: {  	_ =	swait.ge [sflag:s12], $0x10  }
0x19: {  	[sflag:s12] =	ssyncset.done $0x0  }
0x1a: {  	[sflag:s12] =	ssyncadd.s32 $0xFFFFFFF0  }
0x1b: {  	[tilespmem:s15], [sflag:$0x1] =	stream.indirect.gather [hbm4b:s4+s13], $0x40, s2, s13, $0xb8;
	[tilespmem:$0x10A10] =	vst v63  }
0x1c: {  	_ = 	snop  }
0x1d: {  	[tilespmem:s16], [sflag:$0x1] =	stream.indirect.gather [hbm4b:s5+s13], $0x40, s13, s13, $0xb8;
	[tilespmem:$0x10A10] =	vst v63  }
0x1e: {  	s20 =	simm.s32 $0x10400  }
0x1f: {  	[tilespmem:s20], [sflag:$0x1] =	stream.indirect.gather [hbm4b:s6+s13], $0x1, s2, s13, $0xb8;
	[tilespmem:$0x10A10] =	vst v63  }
0x20: {  	s21 =	simm.s32 $0x10600  }
0x21: {  	[tilespmem:s21], [sflag:$0x1] =	stream.indirect.gather [hbm4b:s1+s13], $0x1, s13, s13, $0xb8;
	[tilespmem:$0x10A10] =	vst v63  }
0x22: {  	_ =	swait.ge [sflag:s17], $0x8000  }
0x23: {  	[sflag:s17] =	ssyncset.done $0x0  }
0x24: {  	[sflag:s17] =	ssyncadd.s32 $0xFFFF8000  }
0x25: {  	_ =	swait.ge [sflag:s17], $0x8000  }
0x26: {  	[sflag:s17] =	ssyncset.done $0x0  }
0x27: {  	[sflag:s17] =	ssyncadd.s32 $0xFFFF8000  }
0x28: {  	v1 =	vmov s2;
	_ =	swait.ge [sflag:s17], $0x200  }
0x29: {  	v1 =	vshll.u32 v1, $0x6;
	[sflag:s17] =	ssyncset.done $0x0  }
0x2a: {  	v2 =	vor.u32 v0, v1;
	[sflag:s17] =	ssyncadd.s32 $0xFFFFFE00  }
0x2b: {  	_ =	swait.ge [sflag:s17], $0x200  }
0x2c: {  	[sflag:s17] =	ssyncset.done $0x0  }
0x2d: {  	[sflag:s17] =	ssyncadd.s32 $0xFFFFFE00  }
0x2e: {  	v3 =	vor.u32 $0x1, v2;
	v1 =	vld [tilespmem:$0x10800]  }
0x2f: {  	v4 =	vld.idx.msk [tilespmem:v2+s15+$0x0], $0xffff  }
0x30: {  	v5 =	vor.u32 $0x2, v2;
	v6 =	vld [tilespmem:s20+$0x0]  }
0x31: {  	v7 =	vld.idx.msk [tilespmem:v2+s16+$0x0], $0xffff  }
0x32: {  	v8 =	vor.u32 $0x3, v2;
	v9 =	vld [tilespmem:s21+$0x0]  }
0x33: {  	v10 =	vld.idx.msk [tilespmem:v3+s15+$0x0], $0xffff  }
0x34: {  	v11 =	vor.u32 $0x4, v2;
	v3 =	vld.idx.msk [tilespmem:v3+s16+$0x0], $0xffff  }
0x35: {  	v12 =	vld.idx.msk [tilespmem:v5+s15+$0x0], $0xffff;
	v6 =	vadd.f32 v6, v1  }
0x36: {  	v13 =	vor.u32 $0x5, v2;
	v5 =	vld.idx.msk [tilespmem:v5+s16+$0x0], $0xffff  }
0x37: {  	v14 =	vld.idx.msk [tilespmem:v8+s15+$0x0], $0xffff;
	v4 =	vmul.f32 v7, v4;
	v6 =	vadd.f32 v9, v6  }
0x38: {  	v63 =	vor.u32 $0x6, v2;
	v7 =	vld.idx.msk [tilespmem:v8+s16+$0x0], $0xffff  }
0x39: {  	v16 =	vld.idx.msk [tilespmem:v11+s15+$0x0], $0xffff;
	v3 =	vmul.f32 v3, v10;
	v4 =	vadd.f32 v4, v6  }
0x3a: {  	v17 =	vor.u32 $0x7, v2;
	v6 =	vld.idx.msk [tilespmem:v11+s16+$0x0], $0xffff  }
0x3b: {  	v18 =	vld.idx.msk [tilespmem:v13+s15+$0x0], $0xffff;
	v3 =	vadd.f32 v3, v4;
	v4 =	vmul.f32 v5, v12  }
0x3c: {  	v19 =	vor.u32 $0x8, v2;
	v5 =	vld.idx.msk [tilespmem:v13+s16+$0x0], $0xffff  }
0x3d: {  	v20 =	vld.idx.msk [tilespmem:v63+s15+$0x0], $0xffff;
	v3 =	vadd.f32 v4, v3;
	v4 =	vmul.f32 v7, v14  }
0x3e: {  	v21 =	vor.u32 $0x9, v2;
	v7 =	vld.idx.msk [tilespmem:v63+s16+$0x0], $0xffff  }
0x3f: {  	v22 =	vld.idx.msk [tilespmem:v17+s15+$0x0], $0xffff;
	v3 =	vadd.f32 v4, v3;
	v4 =	vmul.f32 v6, v16  }
0x40: {  	v23 =	vor.u32 $0xA, v2;
	v6 =	vld.idx.msk [tilespmem:v17+s16+$0x0], $0xffff  }
0x41: {  	v24 =	vld.idx.msk [tilespmem:v19+s15+$0x0], $0xffff;
	v3 =	vadd.f32 v4, v3;
	v4 =	vmul.f32 v5, v18  }
0x42: {  	v25 =	vor.u32 $0xB, v2;
	v5 =	vld.idx.msk [tilespmem:v19+s16+$0x0], $0xffff  }
0x43: {  	v26 =	vld.idx.msk [tilespmem:v21+s15+$0x0], $0xffff;
	v3 =	vadd.f32 v4, v3;
	v4 =	vmul.f32 v7, v20  }
0x44: {  	v27 =	vor.u32 $0xC, v2;
	v7 =	vld.idx.msk [tilespmem:v21+s16+$0x0], $0xffff  }
0x45: {  	v28 =	vld.idx.msk [tilespmem:v23+s15+$0x0], $0xffff;
	v3 =	vadd.f32 v4, v3;
	v4 =	vmul.f32 v6, v22  }
0x46: {  	v29 =	vor.u32 $0xD, v2;
	v6 =	vld.idx.msk [tilespmem:v23+s16+$0x0], $0xffff  }
0x47: {  	v30 =	vld.idx.msk [tilespmem:v25+s15+$0x0], $0xffff;
	v3 =	vadd.f32 v4, v3;
	v4 =	vmul.f32 v5, v24  }
0x48: {  	v31 =	vor.u32 $0xE, v2;
	v5 =	vld.idx.msk [tilespmem:v25+s16+$0x0], $0xffff  }
0x49: {  	v32 =	vld.idx.msk [tilespmem:v27+s15+$0x0], $0xffff;
	v3 =	vadd.f32 v4, v3;
	v4 =	vmul.f32 v7, v26  }
0x4a: {  	v33 =	vor.u32 $0xF, v2;
	v7 =	vld.idx.msk [tilespmem:v27+s16+$0x0], $0xffff  }
0x4b: {  	v34 =	vld.idx.msk [tilespmem:v29+s15+$0x0], $0xffff;
	v3 =	vadd.f32 v4, v3;
	v4 =	vmul.f32 v6, v28  }
0x4c: {  	v35 =	vor.u32 $0x10, v2;
	v6 =	vld.idx.msk [tilespmem:v29+s16+$0x0], $0xffff  }
0x4d: {  	v36 =	vld.idx.msk [tilespmem:v31+s15+$0x0], $0xffff;
	v3 =	vadd.f32 v4, v3;
	v4 =	vmul.f32 v5, v30  }
0x4e: {  	v37 =	vor.u32 $0x11, v2;
	v5 =	vld.idx.msk [tilespmem:v31+s16+$0x0], $0xffff  }
0x4f: {  	v38 =	vld.idx.msk [tilespmem:v33+s15+$0x0], $0xffff;
	v3 =	vadd.f32 v4, v3;
	v4 =	vmul.f32 v7, v32  }
0x50: {  	v39 =	vor.u32 $0x12, v2;
	v7 =	vld.idx.msk [tilespmem:v33+s16+$0x0], $0xffff  }
0x51: {  	v40 =	vld.idx.msk [tilespmem:v35+s15+$0x0], $0xffff;
	v3 =	vadd.f32 v4, v3;
	v4 =	vmul.f32 v6, v34  }
0x52: {  	v41 =	vor.u32 $0x13, v2;
	v6 =	vld.idx.msk [tilespmem:v35+s16+$0x0], $0xffff  }
0x53: {  	v42 =	vld.idx.msk [tilespmem:v37+s15+$0x0], $0xffff;
	v3 =	vadd.f32 v4, v3;
	v4 =	vmul.f32 v5, v36  }
0x54: {  	v43 =	vor.u32 $0x14, v2;
	v5 =	vld.idx.msk [tilespmem:v37+s16+$0x0], $0xffff  }
0x55: {  	v44 =	vld.idx.msk [tilespmem:v39+s15+$0x0], $0xffff;
	v3 =	vadd.f32 v4, v3;
	v4 =	vmul.f32 v7, v38  }
0x56: {  	v45 =	vor.u32 $0x15, v2;
	v7 =	vld.idx.msk [tilespmem:v39+s16+$0x0], $0xffff  }
0x57: {  	v46 =	vld.idx.msk [tilespmem:v41+s15+$0x0], $0xffff;
	v3 =	vadd.f32 v4, v3;
	v4 =	vmul.f32 v6, v40  }
0x58: {  	v47 =	vor.u32 $0x16, v2;
	v6 =	vld.idx.msk [tilespmem:v41+s16+$0x0], $0xffff  }
0x59: {  	v48 =	vld.idx.msk [tilespmem:v43+s15+$0x0], $0xffff;
	v3 =	vadd.f32 v4, v3;
	v4 =	vmul.f32 v5, v42  }
0x5a: {  	v49 =	vor.u32 $0x17, v2;
	v5 =	vld.idx.msk [tilespmem:v43+s16+$0x0], $0xffff  }
0x5b: {  	v50 =	vld.idx.msk [tilespmem:v45+s15+$0x0], $0xffff;
	v3 =	vadd.f32 v4, v3;
	v4 =	vmul.f32 v7, v44  }
0x5c: {  	v51 =	vor.u32 $0x18, v2;
	v7 =	vld.idx.msk [tilespmem:v45+s16+$0x0], $0xffff  }
0x5d: {  	v52 =	vld.idx.msk [tilespmem:v47+s15+$0x0], $0xffff;
	v3 =	vadd.f32 v4, v3;
	v4 =	vmul.f32 v6, v46  }
0x5e: {  	v53 =	vor.u32 $0x19, v2;
	v6 =	vld.idx.msk [tilespmem:v47+s16+$0x0], $0xffff  }
0x5f: {  	v54 =	vld.idx.msk [tilespmem:v49+s15+$0x0], $0xffff;
	v3 =	vadd.f32 v4, v3;
	v4 =	vmul.f32 v5, v48  }
0x60: {  	v55 =	vor.u32 $0x1A, v2;
	v5 =	vld.idx.msk [tilespmem:v49+s16+$0x0], $0xffff  }
0x61: {  	v56 =	vld.idx.msk [tilespmem:v51+s15+$0x0], $0xffff;
	v3 =	vadd.f32 v4, v3;
	v4 =	vmul.f32 v7, v50  }
0x62: {  	v57 =	vor.u32 $0x1B, v2;
	v7 =	vld.idx.msk [tilespmem:v51+s16+$0x0], $0xffff  }
0x63: {  	v58 =	vld.idx.msk [tilespmem:v53+s15+$0x0], $0xffff;
	v3 =	vadd.f32 v4, v3;
	v4 =	vmul.f32 v6, v52  }
0x64: {  	v59 =	vor.u32 $0x1C, v2;
	v6 =	vld.idx.msk [tilespmem:v53+s16+$0x0], $0xffff  }
0x65: {  	v60 =	vld.idx.msk [tilespmem:v55+s15+$0x0], $0xffff;
	v3 =	vadd.f32 v4, v3;
	v4 =	vmul.f32 v5, v54  }
0x66: {  	v61 =	vor.u32 $0x1D, v2;
	v5 =	vld.idx.msk [tilespmem:v55+s16+$0x0], $0xffff  }
0x67: {  	v62 =	vld.idx.msk [tilespmem:v57+s15+$0x0], $0xffff;
	v3 =	vadd.f32 v4, v3;
	v4 =	vmul.f32 v7, v56  }
0x68: {  	v63 =	vor.u32 $0x1E, v2;
	v7 =	vld.idx.msk [tilespmem:v57+s16+$0x0], $0xffff  }
0x69: {  	v16 =	vld.idx.msk [tilespmem:v59+s15+$0x0], $0xffff;
	v3 =	vadd.f32 v4, v3;
	v4 =	vmul.f32 v6, v58  }
0x6a: {  	v17 =	vor.u32 $0x1F, v2;
	v6 =	vld.idx.msk [tilespmem:v59+s16+$0x0], $0xffff  }
0x6b: {  	v18 =	vld.idx.msk [tilespmem:v61+s15+$0x0], $0xffff;
	v3 =	vadd.f32 v4, v3;
	v4 =	vmul.f32 v5, v60  }
0x6c: {  	v19 =	vor.u32 $0x20, v2;
	v5 =	vld.idx.msk [tilespmem:v61+s16+$0x0], $0xffff  }
0x6d: {  	v20 =	vld.idx.msk [tilespmem:v63+s15+$0x0], $0xffff;
	v3 =	vadd.f32 v4, v3;
	v4 =	vmul.f32 v7, v62  }
0x6e: {  	v21 =	vor.u32 $0x21, v2;
	v7 =	vld.idx.msk [tilespmem:v63+s16+$0x0], $0xffff  }
0x6f: {  	v22 =	vld.idx.msk [tilespmem:v17+s15+$0x0], $0xffff;
	v3 =	vadd.f32 v4, v3;
	v4 =	vmul.f32 v6, v16  }
0x70: {  	v23 =	vor.u32 $0x22, v2;
	v6 =	vld.idx.msk [tilespmem:v17+s16+$0x0], $0xffff  }
0x71: {  	v24 =	vld.idx.msk [tilespmem:v19+s15+$0x0], $0xffff;
	v3 =	vadd.f32 v4, v3;
	v4 =	vmul.f32 v5, v18  }
0x72: {  	v25 =	vor.u32 $0x23, v2;
	v5 =	vld.idx.msk [tilespmem:v19+s16+$0x0], $0xffff  }
0x73: {  	v26 =	vld.idx.msk [tilespmem:v21+s15+$0x0], $0xffff;
	v3 =	vadd.f32 v4, v3;
	v4 =	vmul.f32 v7, v20  }
0x74: {  	v27 =	vor.u32 $0x24, v2;
	v7 =	vld.idx.msk [tilespmem:v21+s16+$0x0], $0xffff  }
0x75: {  	v28 =	vld.idx.msk [tilespmem:v23+s15+$0x0], $0xffff;
	v3 =	vadd.f32 v4, v3;
	v4 =	vmul.f32 v6, v22  }
0x76: {  	v29 =	vor.u32 $0x25, v2;
	v6 =	vld.idx.msk [tilespmem:v23+s16+$0x0], $0xffff  }
0x77: {  	v30 =	vld.idx.msk [tilespmem:v25+s15+$0x0], $0xffff;
	v3 =	vadd.f32 v4, v3;
	v4 =	vmul.f32 v5, v24  }
0x78: {  	v31 =	vor.u32 $0x26, v2;
	v5 =	vld.idx.msk [tilespmem:v25+s16+$0x0], $0xffff  }
0x79: {  	v32 =	vld.idx.msk [tilespmem:v27+s15+$0x0], $0xffff;
	v3 =	vadd.f32 v4, v3;
	v4 =	vmul.f32 v7, v26  }
0x7a: {  	v33 =	vor.u32 $0x27, v2;
	v7 =	vld.idx.msk [tilespmem:v27+s16+$0x0], $0xffff  }
0x7b: {  	v34 =	vld.idx.msk [tilespmem:v29+s15+$0x0], $0xffff;
	v3 =	vadd.f32 v4, v3;
	v4 =	vmul.f32 v6, v28  }
0x7c: {  	v35 =	vor.u32 $0x28, v2;
	v6 =	vld.idx.msk [tilespmem:v29+s16+$0x0], $0xffff  }
0x7d: {  	v36 =	vld.idx.msk [tilespmem:v31+s15+$0x0], $0xffff;
	v3 =	vadd.f32 v4, v3;
	v4 =	vmul.f32 v5, v30  }
0x7e: {  	v37 =	vor.u32 $0x29, v2;
	v5 =	vld.idx.msk [tilespmem:v31+s16+$0x0], $0xffff  }
0x7f: {  	v38 =	vld.idx.msk [tilespmem:v33+s15+$0x0], $0xffff;
	v3 =	vadd.f32 v4, v3;
	v4 =	vmul.f32 v7, v32  }
0x80: {  	v39 =	vor.u32 $0x2A, v2;
	v7 =	vld.idx.msk [tilespmem:v33+s16+$0x0], $0xffff  }
0x81: {  	v40 =	vld.idx.msk [tilespmem:v35+s15+$0x0], $0xffff;
	v3 =	vadd.f32 v4, v3;
	v4 =	vmul.f32 v6, v34  }
0x82: {  	v41 =	vor.u32 $0x2B, v2;
	v6 =	vld.idx.msk [tilespmem:v35+s16+$0x0], $0xffff  }
0x83: {  	v42 =	vld.idx.msk [tilespmem:v37+s15+$0x0], $0xffff;
	v3 =	vadd.f32 v4, v3;
	v4 =	vmul.f32 v5, v36  }
0x84: {  	v43 =	vor.u32 $0x2C, v2;
	v5 =	vld.idx.msk [tilespmem:v37+s16+$0x0], $0xffff  }
0x85: {  	v44 =	vld.idx.msk [tilespmem:v39+s15+$0x0], $0xffff;
	v3 =	vadd.f32 v4, v3;
	v4 =	vmul.f32 v7, v38  }
0x86: {  	v45 =	vor.u32 $0x2D, v2;
	v7 =	vld.idx.msk [tilespmem:v39+s16+$0x0], $0xffff  }
0x87: {  	v46 =	vld.idx.msk [tilespmem:v41+s15+$0x0], $0xffff;
	v3 =	vadd.f32 v4, v3;
	v4 =	vmul.f32 v6, v40  }
0x88: {  	v47 =	vor.u32 $0x2E, v2;
	v6 =	vld.idx.msk [tilespmem:v41+s16+$0x0], $0xffff  }
0x89: {  	v48 =	vld.idx.msk [tilespmem:v43+s15+$0x0], $0xffff;
	v3 =	vadd.f32 v4, v3;
	v4 =	vmul.f32 v5, v42  }
0x8a: {  	v49 =	vor.u32 $0x2F, v2;
	v5 =	vld.idx.msk [tilespmem:v43+s16+$0x0], $0xffff  }
0x8b: {  	v50 =	vld.idx.msk [tilespmem:v45+s15+$0x0], $0xffff;
	v3 =	vadd.f32 v4, v3;
	v4 =	vmul.f32 v7, v44  }
0x8c: {  	v51 =	vor.u32 $0x30, v2;
	v7 =	vld.idx.msk [tilespmem:v45+s16+$0x0], $0xffff  }
0x8d: {  	v52 =	vld.idx.msk [tilespmem:v47+s15+$0x0], $0xffff;
	v3 =	vadd.f32 v4, v3;
	v4 =	vmul.f32 v6, v46  }
0x8e: {  	v53 =	vor.u32 $0x31, v2;
	v6 =	vld.idx.msk [tilespmem:v47+s16+$0x0], $0xffff  }
0x8f: {  	v54 =	vld.idx.msk [tilespmem:v49+s15+$0x0], $0xffff;
	v3 =	vadd.f32 v4, v3;
	v4 =	vmul.f32 v5, v48  }
0x90: {  	v55 =	vor.u32 $0x32, v2;
	v5 =	vld.idx.msk [tilespmem:v49+s16+$0x0], $0xffff  }
0x91: {  	v56 =	vld.idx.msk [tilespmem:v51+s15+$0x0], $0xffff;
	v3 =	vadd.f32 v4, v3;
	v4 =	vmul.f32 v7, v50  }
0x92: {  	v57 =	vor.u32 $0x33, v2;
	v7 =	vld.idx.msk [tilespmem:v51+s16+$0x0], $0xffff  }
0x93: {  	v58 =	vld.idx.msk [tilespmem:v53+s15+$0x0], $0xffff;
	v3 =	vadd.f32 v4, v3;
	v4 =	vmul.f32 v6, v52  }
0x94: {  	v59 =	vor.u32 $0x34, v2;
	v6 =	vld.idx.msk [tilespmem:v53+s16+$0x0], $0xffff  }
0x95: {  	v60 =	vld.idx.msk [tilespmem:v55+s15+$0x0], $0xffff;
	v3 =	vadd.f32 v4, v3;
	v4 =	vmul.f32 v5, v54  }
0x96: {  	v61 =	vor.u32 $0x35, v2;
	v5 =	vld.idx.msk [tilespmem:v55+s16+$0x0], $0xffff  }
0x97: {  	v62 =	vld.idx.msk [tilespmem:v57+s15+$0x0], $0xffff;
	v3 =	vadd.f32 v4, v3;
	v4 =	vmul.f32 v7, v56  }
0x98: {  	v63 =	vor.u32 $0x36, v2;
	v7 =	vld.idx.msk [tilespmem:v57+s16+$0x0], $0xffff  }
0x99: {  	v16 =	vld.idx.msk [tilespmem:v59+s15+$0x0], $0xffff;
	v3 =	vadd.f32 v4, v3;
	v4 =	vmul.f32 v6, v58  }
0x9a: {  	v17 =	vor.u32 $0x37, v2;
	v6 =	vld.idx.msk [tilespmem:v59+s16+$0x0], $0xffff  }
0x9b: {  	v18 =	vld.idx.msk [tilespmem:v61+s15+$0x0], $0xffff;
	v3 =	vadd.f32 v4, v3;
	v4 =	vmul.f32 v5, v60  }
0x9c: {  	v19 =	vor.u32 $0x38, v2;
	v5 =	vld.idx.msk [tilespmem:v61+s16+$0x0], $0xffff  }
0x9d: {  	v20 =	vld.idx.msk [tilespmem:v63+s15+$0x0], $0xffff;
	v3 =	vadd.f32 v4, v3;
	v4 =	vmul.f32 v7, v62  }
0x9e: {  	v21 =	vor.u32 $0x39, v2;
	v7 =	vld.idx.msk [tilespmem:v63+s16+$0x0], $0xffff  }
0x9f: {  	v22 =	vld.idx.msk [tilespmem:v17+s15+$0x0], $0xffff;
	v3 =	vadd.f32 v4, v3;
	v4 =	vmul.f32 v6, v16  }
0xa0: {  	v23 =	vor.u32 $0x3A, v2;
	v6 =	vld.idx.msk [tilespmem:v17+s16+$0x0], $0xffff  }
0xa1: {  	v24 =	vld.idx.msk [tilespmem:v19+s15+$0x0], $0xffff;
	v3 =	vadd.f32 v4, v3;
	v4 =	vmul.f32 v5, v18  }
0xa2: {  	v25 =	vor.u32 $0x3B, v2;
	v5 =	vld.idx.msk [tilespmem:v19+s16+$0x0], $0xffff  }
0xa3: {  	v26 =	vld.idx.msk [tilespmem:v21+s15+$0x0], $0xffff;
	v3 =	vadd.f32 v4, v3;
	v4 =	vmul.f32 v7, v20  }
0xa4: {  	v27 =	vor.u32 $0x3C, v2;
	v7 =	vld.idx.msk [tilespmem:v21+s16+$0x0], $0xffff  }
0xa5: {  	v28 =	vld.idx.msk [tilespmem:v23+s15+$0x0], $0xffff;
	v3 =	vadd.f32 v4, v3;
	v4 =	vmul.f32 v6, v22  }
0xa6: {  	v29 =	vor.u32 $0x3D, v2;
	v6 =	vld.idx.msk [tilespmem:v23+s16+$0x0], $0xffff  }
0xa7: {  	v30 =	vld.idx.msk [tilespmem:v25+s15+$0x0], $0xffff;
	v3 =	vadd.f32 v4, v3;
	v4 =	vmul.f32 v5, v24  }
0xa8: {  	v31 =	vor.u32 $0x3E, v2;
	v5 =	vld.idx.msk [tilespmem:v25+s16+$0x0], $0xffff  }
0xa9: {  	v32 =	vld.idx.msk [tilespmem:v27+s15+$0x0], $0xffff;
	v3 =	vadd.f32 v4, v3;
	v4 =	vmul.f32 v7, v26  }
0xaa: {  	v2 =	vor.u32 $0x3F, v2;
	v7 =	vld.idx.msk [tilespmem:v27+s16+$0x0], $0xffff  }
0xab: {  	v33 =	vld.idx.msk [tilespmem:v29+s15+$0x0], $0xffff;
	v3 =	vadd.f32 v4, v3;
	v4 =	vmul.f32 v6, v28  }
0xac: {  	v6 =	vld.idx.msk [tilespmem:v29+s16+$0x0], $0xffff  }
0xad: {  	v34 =	vld.idx.msk [tilespmem:v31+s15+$0x0], $0xffff;
	v3 =	vadd.f32 v4, v3;
	v4 =	vmul.f32 v5, v30  }
0xae: {  	v5 =	vld.idx.msk [tilespmem:v31+s16+$0x0], $0xffff  }
0xaf: {  	v35 =	vld.idx.msk [tilespmem:v2+s15+$0x0], $0xffff;
	v3 =	vadd.f32 v4, v3;
	v4 =	vmul.f32 v7, v32  }
0xb0: {  	v7 =	vld.idx.msk [tilespmem:v2+s16+$0x0], $0xffff  }
0xb1: {  	v2 =	vadd.f32 v4, v3;
	v3 =	vmul.f32 v6, v33  }
0xb2: {  	s31 =	simm.s32 $0x10  }
0xb3: {  	v4 =	vmov s31;
	v5 =	vmul.f32 v5, v34;
	v3 =	vadd.f32 v3, v2  }
0xb4: {  	v2 =	vshll.u32 v4, $0x6  }
0xb5: {  	v2 =	vor.u32 v0, v2;
	v4 =	vmul.f32 v7, v35;
	v3 =	vadd.f32 v5, v3;
	_ =	sdelay $0x1  }
0xb6: {  	v3 =	vadd.f32 v4, v3;
	_ =	sdelay $0x1  }
0xb7: {  	v4 =	vor.u32 $0x1, v2;
	[tilespmem:s18+$0x0] =	vst v3  }
0xb8: {  	s20 =	simm.s32 $0x10410;
	v3 =	vld.idx.msk [tilespmem:v2+s15+$0x0], $0xffff  }
0xb9: {  	v5 =	vor.u32 $0x2, v2;
	v6 =	vld [tilespmem:s20+$0x0]  }
0xba: {  	s21 =	simm.s32 $0x10610;
	v7 =	vld.idx.msk [tilespmem:v2+s16+$0x0], $0xffff  }
0xbb: {  	v36 =	vor.u32 $0x3, v2;
	v37 =	vld [tilespmem:s21+$0x0]  }
0xbc: {  	v38 =	vld.idx.msk [tilespmem:v4+s15+$0x0], $0xffff  }
0xbd: {  	v39 =	vor.u32 $0x4, v2;
	v4 =	vld.idx.msk [tilespmem:v4+s16+$0x0], $0xffff  }
0xbe: {  	v40 =	vld.idx.msk [tilespmem:v5+s15+$0x0], $0xffff;
	v6 =	vadd.f32 v6, v1  }
0xbf: {  	v41 =	vor.u32 $0x5, v2;
	v5 =	vld.idx.msk [tilespmem:v5+s16+$0x0], $0xffff  }
0xc0: {  	v42 =	vld.idx.msk [tilespmem:v36+s15+$0x0], $0xffff;
	v3 =	vmul.f32 v7, v3;
	v6 =	vadd.f32 v37, v6  }
0xc1: {  	v43 =	vor.u32 $0x6, v2;
	v7 =	vld.idx.msk [tilespmem:v36+s16+$0x0], $0xffff  }
0xc2: {  	v44 =	vld.idx.msk [tilespmem:v39+s15+$0x0], $0xffff;
	v4 =	vmul.f32 v4, v38;
	v3 =	vadd.f32 v3, v6  }
0xc3: {  	v45 =	vor.u32 $0x7, v2;
	v6 =	vld.idx.msk [tilespmem:v39+s16+$0x0], $0xffff  }
0xc4: {  	v46 =	vld.idx.msk [tilespmem:v41+s15+$0x0], $0xffff;
	v3 =	vadd.f32 v4, v3;
	v4 =	vmul.f32 v5, v40  }
0xc5: {  	v47 =	vor.u32 $0x8, v2;
	v5 =	vld.idx.msk [tilespmem:v41+s16+$0x0], $0xffff  }
0xc6: {  	v48 =	vld.idx.msk [tilespmem:v43+s15+$0x0], $0xffff;
	v3 =	vadd.f32 v4, v3;
	v4 =	vmul.f32 v7, v42  }
0xc7: {  	v49 =	vor.u32 $0x9, v2;
	v7 =	vld.idx.msk [tilespmem:v43+s16+$0x0], $0xffff  }
0xc8: {  	v50 =	vld.idx.msk [tilespmem:v45+s15+$0x0], $0xffff;
	v3 =	vadd.f32 v4, v3;
	v4 =	vmul.f32 v6, v44  }
0xc9: {  	v51 =	vor.u32 $0xA, v2;
	v6 =	vld.idx.msk [tilespmem:v45+s16+$0x0], $0xffff  }
0xca: {  	v52 =	vld.idx.msk [tilespmem:v47+s15+$0x0], $0xffff;
	v3 =	vadd.f32 v4, v3;
	v4 =	vmul.f32 v5, v46  }
0xcb: {  	v53 =	vor.u32 $0xB, v2;
	v5 =	vld.idx.msk [tilespmem:v47+s16+$0x0], $0xffff  }
0xcc: {  	v54 =	vld.idx.msk [tilespmem:v49+s15+$0x0], $0xffff;
	v3 =	vadd.f32 v4, v3;
	v4 =	vmul.f32 v7, v48  }
0xcd: {  	v55 =	vor.u32 $0xC, v2;
	v7 =	vld.idx.msk [tilespmem:v49+s16+$0x0], $0xffff  }
0xce: {  	v56 =	vld.idx.msk [tilespmem:v51+s15+$0x0], $0xffff;
	v3 =	vadd.f32 v4, v3;
	v4 =	vmul.f32 v6, v50  }
0xcf: {  	v57 =	vor.u32 $0xD, v2;
	v6 =	vld.idx.msk [tilespmem:v51+s16+$0x0], $0xffff  }
0xd0: {  	v58 =	vld.idx.msk [tilespmem:v53+s15+$0x0], $0xffff;
	v3 =	vadd.f32 v4, v3;
	v4 =	vmul.f32 v5, v52  }
0xd1: {  	v59 =	vor.u32 $0xE, v2;
	v5 =	vld.idx.msk [tilespmem:v53+s16+$0x0], $0xffff  }
0xd2: {  	v60 =	vld.idx.msk [tilespmem:v55+s15+$0x0], $0xffff;
	v3 =	vadd.f32 v4, v3;
	v4 =	vmul.f32 v7, v54  }
0xd3: {  	v61 =	vor.u32 $0xF, v2;
	v7 =	vld.idx.msk [tilespmem:v55+s16+$0x0], $0xffff  }
0xd4: {  	v62 =	vld.idx.msk [tilespmem:v57+s15+$0x0], $0xffff;
	v3 =	vadd.f32 v4, v3;
	v4 =	vmul.f32 v6, v56  }
0xd5: {  	v63 =	vor.u32 $0x10, v2;
	v6 =	vld.idx.msk [tilespmem:v57+s16+$0x0], $0xffff  }
0xd6: {  	v16 =	vld.idx.msk [tilespmem:v59+s15+$0x0], $0xffff;
	v3 =	vadd.f32 v4, v3;
	v4 =	vmul.f32 v5, v58  }
0xd7: {  	v17 =	vor.u32 $0x11, v2;
	v5 =	vld.idx.msk [tilespmem:v59+s16+$0x0], $0xffff  }
0xd8: {  	v18 =	vld.idx.msk [tilespmem:v61+s15+$0x0], $0xffff;
	v3 =	vadd.f32 v4, v3;
	v4 =	vmul.f32 v7, v60  }
0xd9: {  	v19 =	vor.u32 $0x12, v2;
	v7 =	vld.idx.msk [tilespmem:v61+s16+$0x0], $0xffff  }
0xda: {  	v20 =	vld.idx.msk [tilespmem:v63+s15+$0x0], $0xffff;
	v3 =	vadd.f32 v4, v3;
	v4 =	vmul.f32 v6, v62  }
0xdb: {  	v21 =	vor.u32 $0x13, v2;
	v6 =	vld.idx.msk [tilespmem:v63+s16+$0x0], $0xffff  }
0xdc: {  	v22 =	vld.idx.msk [tilespmem:v17+s15+$0x0], $0xffff;
	v3 =	vadd.f32 v4, v3;
	v4 =	vmul.f32 v5, v16  }
0xdd: {  	v23 =	vor.u32 $0x14, v2;
	v5 =	vld.idx.msk [tilespmem:v17+s16+$0x0], $0xffff  }
0xde: {  	v24 =	vld.idx.msk [tilespmem:v19+s15+$0x0], $0xffff;
	v3 =	vadd.f32 v4, v3;
	v4 =	vmul.f32 v7, v18  }
0xdf: {  	v25 =	vor.u32 $0x15, v2;
	v7 =	vld.idx.msk [tilespmem:v19+s16+$0x0], $0xffff  }
0xe0: {  	v26 =	vld.idx.msk [tilespmem:v21+s15+$0x0], $0xffff;
	v3 =	vadd.f32 v4, v3;
	v4 =	vmul.f32 v6, v20  }
0xe1: {  	v27 =	vor.u32 $0x16, v2;
	v6 =	vld.idx.msk [tilespmem:v21+s16+$0x0], $0xffff  }
0xe2: {  	v28 =	vld.idx.msk [tilespmem:v23+s15+$0x0], $0xffff;
	v3 =	vadd.f32 v4, v3;
	v4 =	vmul.f32 v5, v22  }
0xe3: {  	v29 =	vor.u32 $0x17, v2;
	v5 =	vld.idx.msk [tilespmem:v23+s16+$0x0], $0xffff  }
0xe4: {  	v30 =	vld.idx.msk [tilespmem:v25+s15+$0x0], $0xffff;
	v3 =	vadd.f32 v4, v3;
	v4 =	vmul.f32 v7, v24  }
0xe5: {  	v31 =	vor.u32 $0x18, v2;
	v7 =	vld.idx.msk [tilespmem:v25+s16+$0x0], $0xffff  }
0xe6: {  	v32 =	vld.idx.msk [tilespmem:v27+s15+$0x0], $0xffff;
	v3 =	vadd.f32 v4, v3;
	v4 =	vmul.f32 v6, v26  }
0xe7: {  	v33 =	vor.u32 $0x19, v2;
	v6 =	vld.idx.msk [tilespmem:v27+s16+$0x0], $0xffff  }
0xe8: {  	v34 =	vld.idx.msk [tilespmem:v29+s15+$0x0], $0xffff;
	v3 =	vadd.f32 v4, v3;
	v4 =	vmul.f32 v5, v28  }
0xe9: {  	v35 =	vor.u32 $0x1A, v2;
	v5 =	vld.idx.msk [tilespmem:v29+s16+$0x0], $0xffff  }
0xea: {  	v36 =	vld.idx.msk [tilespmem:v31+s15+$0x0], $0xffff;
	v3 =	vadd.f32 v4, v3;
	v4 =	vmul.f32 v7, v30  }
0xeb: {  	v37 =	vor.u32 $0x1B, v2;
	v7 =	vld.idx.msk [tilespmem:v31+s16+$0x0], $0xffff  }
0xec: {  	v38 =	vld.idx.msk [tilespmem:v33+s15+$0x0], $0xffff;
	v3 =	vadd.f32 v4, v3;
	v4 =	vmul.f32 v6, v32  }
0xed: {  	v39 =	vor.u32 $0x1C, v2;
	v6 =	vld.idx.msk [tilespmem:v33+s16+$0x0], $0xffff  }
0xee: {  	v40 =	vld.idx.msk [tilespmem:v35+s15+$0x0], $0xffff;
	v3 =	vadd.f32 v4, v3;
	v4 =	vmul.f32 v5, v34  }
0xef: {  	v41 =	vor.u32 $0x1D, v2;
	v5 =	vld.idx.msk [tilespmem:v35+s16+$0x0], $0xffff  }
0xf0: {  	v42 =	vld.idx.msk [tilespmem:v37+s15+$0x0], $0xffff;
	v3 =	vadd.f32 v4, v3;
	v4 =	vmul.f32 v7, v36  }
0xf1: {  	v43 =	vor.u32 $0x1E, v2;
	v7 =	vld.idx.msk [tilespmem:v37+s16+$0x0], $0xffff  }
0xf2: {  	v44 =	vld.idx.msk [tilespmem:v39+s15+$0x0], $0xffff;
	v3 =	vadd.f32 v4, v3;
	v4 =	vmul.f32 v6, v38  }
0xf3: {  	v45 =	vor.u32 $0x1F, v2;
	v6 =	vld.idx.msk [tilespmem:v39+s16+$0x0], $0xffff  }
0xf4: {  	v46 =	vld.idx.msk [tilespmem:v41+s15+$0x0], $0xffff;
	v3 =	vadd.f32 v4, v3;
	v4 =	vmul.f32 v5, v40  }
0xf5: {  	v47 =	vor.u32 $0x20, v2;
	v5 =	vld.idx.msk [tilespmem:v41+s16+$0x0], $0xffff  }
0xf6: {  	v48 =	vld.idx.msk [tilespmem:v43+s15+$0x0], $0xffff;
	v3 =	vadd.f32 v4, v3;
	v4 =	vmul.f32 v7, v42  }
0xf7: {  	v49 =	vor.u32 $0x21, v2;
	v7 =	vld.idx.msk [tilespmem:v43+s16+$0x0], $0xffff  }
0xf8: {  	v50 =	vld.idx.msk [tilespmem:v45+s15+$0x0], $0xffff;
	v3 =	vadd.f32 v4, v3;
	v4 =	vmul.f32 v6, v44  }
0xf9: {  	v51 =	vor.u32 $0x22, v2;
	v6 =	vld.idx.msk [tilespmem:v45+s16+$0x0], $0xffff  }
0xfa: {  	v52 =	vld.idx.msk [tilespmem:v47+s15+$0x0], $0xffff;
	v3 =	vadd.f32 v4, v3;
	v4 =	vmul.f32 v5, v46  }
0xfb: {  	v53 =	vor.u32 $0x23, v2;
	v5 =	vld.idx.msk [tilespmem:v47+s16+$0x0], $0xffff  }
0xfc: {  	v54 =	vld.idx.msk [tilespmem:v49+s15+$0x0], $0xffff;
	v3 =	vadd.f32 v4, v3;
	v4 =	vmul.f32 v7, v48  }
0xfd: {  	v55 =	vor.u32 $0x24, v2;
	v7 =	vld.idx.msk [tilespmem:v49+s16+$0x0], $0xffff  }
0xfe: {  	v56 =	vld.idx.msk [tilespmem:v51+s15+$0x0], $0xffff;
	v3 =	vadd.f32 v4, v3;
	v4 =	vmul.f32 v6, v50  }
0xff: {  	v57 =	vor.u32 $0x25, v2;
	v6 =	vld.idx.msk [tilespmem:v51+s16+$0x0], $0xffff  }
0x100: {  	v58 =	vld.idx.msk [tilespmem:v53+s15+$0x0], $0xffff;
	v3 =	vadd.f32 v4, v3;
	v4 =	vmul.f32 v5, v52  }
0x101: {  	v59 =	vor.u32 $0x26, v2;
	v5 =	vld.idx.msk [tilespmem:v53+s16+$0x0], $0xffff  }
0x102: {  	v60 =	vld.idx.msk [tilespmem:v55+s15+$0x0], $0xffff;
	v3 =	vadd.f32 v4, v3;
	v4 =	vmul.f32 v7, v54  }
0x103: {  	v61 =	vor.u32 $0x27, v2;
	v7 =	vld.idx.msk [tilespmem:v55+s16+$0x0], $0xffff  }
0x104: {  	v62 =	vld.idx.msk [tilespmem:v57+s15+$0x0], $0xffff;
	v3 =	vadd.f32 v4, v3;
	v4 =	vmul.f32 v6, v56  }
0x105: {  	v63 =	vor.u32 $0x28, v2;
	v6 =	vld.idx.msk [tilespmem:v57+s16+$0x0], $0xffff  }
0x106: {  	v16 =	vld.idx.msk [tilespmem:v59+s15+$0x0], $0xffff;
	v3 =	vadd.f32 v4, v3;
	v4 =	vmul.f32 v5, v58  }
0x107: {  	v17 =	vor.u32 $0x29, v2;
	v5 =	vld.idx.msk [tilespmem:v59+s16+$0x0], $0xffff  }
0x108: {  	v18 =	vld.idx.msk [tilespmem:v61+s15+$0x0], $0xffff;
	v3 =	vadd.f32 v4, v3;
	v4 =	vmul.f32 v7, v60  }
0x109: {  	v19 =	vor.u32 $0x2A, v2;
	v7 =	vld.idx.msk [tilespmem:v61+s16+$0x0], $0xffff  }
0x10a: {  	v20 =	vld.idx.msk [tilespmem:v63+s15+$0x0], $0xffff;
	v3 =	vadd.f32 v4, v3;
	v4 =	vmul.f32 v6, v62  }
0x10b: {  	v21 =	vor.u32 $0x2B, v2;
	v6 =	vld.idx.msk [tilespmem:v63+s16+$0x0], $0xffff  }
0x10c: {  	v22 =	vld.idx.msk [tilespmem:v17+s15+$0x0], $0xffff;
	v3 =	vadd.f32 v4, v3;
	v4 =	vmul.f32 v5, v16  }
0x10d: {  	v23 =	vor.u32 $0x2C, v2;
	v5 =	vld.idx.msk [tilespmem:v17+s16+$0x0], $0xffff  }
0x10e: {  	v24 =	vld.idx.msk [tilespmem:v19+s15+$0x0], $0xffff;
	v3 =	vadd.f32 v4, v3;
	v4 =	vmul.f32 v7, v18  }
0x10f: {  	v25 =	vor.u32 $0x2D, v2;
	v7 =	vld.idx.msk [tilespmem:v19+s16+$0x0], $0xffff  }
0x110: {  	v26 =	vld.idx.msk [tilespmem:v21+s15+$0x0], $0xffff;
	v3 =	vadd.f32 v4, v3;
	v4 =	vmul.f32 v6, v20  }
0x111: {  	v27 =	vor.u32 $0x2E, v2;
	v6 =	vld.idx.msk [tilespmem:v21+s16+$0x0], $0xffff  }
0x112: {  	v28 =	vld.idx.msk [tilespmem:v23+s15+$0x0], $0xffff;
	v3 =	vadd.f32 v4, v3;
	v4 =	vmul.f32 v5, v22  }
0x113: {  	v29 =	vor.u32 $0x2F, v2;
	v5 =	vld.idx.msk [tilespmem:v23+s16+$0x0], $0xffff  }
0x114: {  	v30 =	vld.idx.msk [tilespmem:v25+s15+$0x0], $0xffff;
	v3 =	vadd.f32 v4, v3;
	v4 =	vmul.f32 v7, v24  }
0x115: {  	v31 =	vor.u32 $0x30, v2;
	v7 =	vld.idx.msk [tilespmem:v25+s16+$0x0], $0xffff  }
0x116: {  	v32 =	vld.idx.msk [tilespmem:v27+s15+$0x0], $0xffff;
	v3 =	vadd.f32 v4, v3;
	v4 =	vmul.f32 v6, v26  }
0x117: {  	v33 =	vor.u32 $0x31, v2;
	v6 =	vld.idx.msk [tilespmem:v27+s16+$0x0], $0xffff  }
0x118: {  	v34 =	vld.idx.msk [tilespmem:v29+s15+$0x0], $0xffff;
	v3 =	vadd.f32 v4, v3;
	v4 =	vmul.f32 v5, v28  }
0x119: {  	v35 =	vor.u32 $0x32, v2;
	v5 =	vld.idx.msk [tilespmem:v29+s16+$0x0], $0xffff  }
0x11a: {  	v36 =	vld.idx.msk [tilespmem:v31+s15+$0x0], $0xffff;
	v3 =	vadd.f32 v4, v3;
	v4 =	vmul.f32 v7, v30  }
0x11b: {  	v37 =	vor.u32 $0x33, v2;
	v7 =	vld.idx.msk [tilespmem:v31+s16+$0x0], $0xffff  }
0x11c: {  	v38 =	vld.idx.msk [tilespmem:v33+s15+$0x0], $0xffff;
	v3 =	vadd.f32 v4, v3;
	v4 =	vmul.f32 v6, v32  }
0x11d: {  	v39 =	vor.u32 $0x34, v2;
	v6 =	vld.idx.msk [tilespmem:v33+s16+$0x0], $0xffff  }
0x11e: {  	v40 =	vld.idx.msk [tilespmem:v35+s15+$0x0], $0xffff;
	v3 =	vadd.f32 v4, v3;
	v4 =	vmul.f32 v5, v34  }
0x11f: {  	v41 =	vor.u32 $0x35, v2;
	v5 =	vld.idx.msk [tilespmem:v35+s16+$0x0], $0xffff  }
0x120: {  	v42 =	vld.idx.msk [tilespmem:v37+s15+$0x0], $0xffff;
	v3 =	vadd.f32 v4, v3;
	v4 =	vmul.f32 v7, v36  }
0x121: {  	v43 =	vor.u32 $0x36, v2;
	v7 =	vld.idx.msk [tilespmem:v37+s16+$0x0], $0xffff  }
0x122: {  	v44 =	vld.idx.msk [tilespmem:v39+s15+$0x0], $0xffff;
	v3 =	vadd.f32 v4, v3;
	v4 =	vmul.f32 v6, v38  }
0x123: {  	v45 =	vor.u32 $0x37, v2;
	v6 =	vld.idx.msk [tilespmem:v39+s16+$0x0], $0xffff  }
0x124: {  	v46 =	vld.idx.msk [tilespmem:v41+s15+$0x0], $0xffff;
	v3 =	vadd.f32 v4, v3;
	v4 =	vmul.f32 v5, v40  }
0x125: {  	v47 =	vor.u32 $0x38, v2;
	v5 =	vld.idx.msk [tilespmem:v41+s16+$0x0], $0xffff  }
0x126: {  	v48 =	vld.idx.msk [tilespmem:v43+s15+$0x0], $0xffff;
	v3 =	vadd.f32 v4, v3;
	v4 =	vmul.f32 v7, v42  }
0x127: {  	v49 =	vor.u32 $0x39, v2;
	v7 =	vld.idx.msk [tilespmem:v43+s16+$0x0], $0xffff  }
0x128: {  	v50 =	vld.idx.msk [tilespmem:v45+s15+$0x0], $0xffff;
	v3 =	vadd.f32 v4, v3;
	v4 =	vmul.f32 v6, v44  }
0x129: {  	v51 =	vor.u32 $0x3A, v2;
	v6 =	vld.idx.msk [tilespmem:v45+s16+$0x0], $0xffff  }
0x12a: {  	v52 =	vld.idx.msk [tilespmem:v47+s15+$0x0], $0xffff;
	v3 =	vadd.f32 v4, v3;
	v4 =	vmul.f32 v5, v46  }
0x12b: {  	v53 =	vor.u32 $0x3B, v2;
	v5 =	vld.idx.msk [tilespmem:v47+s16+$0x0], $0xffff  }
0x12c: {  	v54 =	vld.idx.msk [tilespmem:v49+s15+$0x0], $0xffff;
	v3 =	vadd.f32 v4, v3;
	v4 =	vmul.f32 v7, v48  }
0x12d: {  	v55 =	vor.u32 $0x3C, v2;
	v7 =	vld.idx.msk [tilespmem:v49+s16+$0x0], $0xffff  }
0x12e: {  	v56 =	vld.idx.msk [tilespmem:v51+s15+$0x0], $0xffff;
	v3 =	vadd.f32 v4, v3;
	v4 =	vmul.f32 v6, v50  }
0x12f: {  	v57 =	vor.u32 $0x3D, v2;
	v6 =	vld.idx.msk [tilespmem:v51+s16+$0x0], $0xffff  }
0x130: {  	v58 =	vld.idx.msk [tilespmem:v53+s15+$0x0], $0xffff;
	v3 =	vadd.f32 v4, v3;
	v4 =	vmul.f32 v5, v52  }
0x131: {  	v59 =	vor.u32 $0x3E, v2;
	v5 =	vld.idx.msk [tilespmem:v53+s16+$0x0], $0xffff  }
0x132: {  	v60 =	vld.idx.msk [tilespmem:v55+s15+$0x0], $0xffff;
	v3 =	vadd.f32 v4, v3;
	v4 =	vmul.f32 v7, v54  }
0x133: {  	v2 =	vor.u32 $0x3F, v2;
	v7 =	vld.idx.msk [tilespmem:v55+s16+$0x0], $0xffff  }
0x134: {  	v61 =	vld.idx.msk [tilespmem:v57+s15+$0x0], $0xffff;
	v3 =	vadd.f32 v4, v3;
	v4 =	vmul.f32 v6, v56  }
0x135: {  	v6 =	vld.idx.msk [tilespmem:v57+s16+$0x0], $0xffff  }
0x136: {  	v62 =	vld.idx.msk [tilespmem:v59+s15+$0x0], $0xffff;
	v3 =	vadd.f32 v4, v3;
	v4 =	vmul.f32 v5, v58  }
0x137: {  	v5 =	vld.idx.msk [tilespmem:v59+s16+$0x0], $0xffff  }
0x138: {  	v63 =	vld.idx.msk [tilespmem:v2+s15+$0x0], $0xffff;
	v3 =	vadd.f32 v4, v3;
	v4 =	vmul.f32 v7, v60  }
0x139: {  	v7 =	vld.idx.msk [tilespmem:v2+s16+$0x0], $0xffff  }
0x13a: {  	s22 =	simm.s32 $0x20;
	v2 =	vadd.f32 v4, v3;
	v3 =	vmul.f32 v6, v61  }
0x13b: {  	v4 =	vmov s22  }
0x13c: {  	v4 =	vshll.u32 v4, $0x6;
	v5 =	vmul.f32 v5, v62;
	v6 =	vadd.f32 v3, v2  }
0x13d: {  	v2 =	vor.u32 v0, v4  }
0x13e: {  	v3 =	vor.u32 $0x1, v2;
	v4 =	vadd.f32 v5, v6;
	v5 =	vmul.f32 v7, v63  }
0x13f: {  	s23 =	simm.s32 $0x30;
	s22 =	simm.s32 $0x10810  }
.LBB2_2:
0x140: {  	p0 =	sne.s32 s23, $0x1F0;
	v4 =	vadd.f32 v5, v4  }
0x141: {  	s22 =	sadd.s32 $0x10, s22  }
0x142: {  	[tilespmem:s22+$0x0] =	vst v4  }
0x143: {  	v4 =	vld.idx.msk [tilespmem:v3+s15+$0x0], $0xffff  }
0x144: {  	v6 =	vor.u32 $0x2, v2;
	s20 =	sadd.s32 $0x10, s20;
	v5 =	vld.idx.msk [tilespmem:v2+s15+$0x0], $0xffff  }
0x145: {  	v7 =	vld [tilespmem:s20+$0x0]  }
0x146: {  	v9 =	vor.u32 $0x3, v2;
	s21 =	sadd.s32 $0x10, s21;
	v8 =	vld.idx.msk [tilespmem:v2+s16+$0x0], $0xffff  }
0x147: {  	v10 =	vld [tilespmem:s21+$0x0]  }
0x148: {  	v11 =	vor.u32 $0x4, v2;
	v3 =	vld.idx.msk [tilespmem:v3+s16+$0x0], $0xffff  }
0x149: {  	v12 =	vld.idx.msk [tilespmem:v6+s15+$0x0], $0xffff  }
0x14a: {  	v13 =	vor.u32 $0x5, v2;
	v7 =	vadd.f32 v7, v1;
	v6 =	vld.idx.msk [tilespmem:v6+s16+$0x0], $0xffff  }
0x14b: {  	v14 =	vld.idx.msk [tilespmem:v9+s15+$0x0], $0xffff  }
0x14c: {  	v5 =	vmul.f32 v8, v5;
	v7 =	vadd.f32 v10, v7;
	v8 =	vld.idx.msk [tilespmem:v9+s16+$0x0], $0xffff;
	v9 =	vor.u32 $0x6, v2  }
0x14d: {  	v10 =	vld.idx.msk [tilespmem:v11+s15+$0x0], $0xffff  }
0x14e: {  	v3 =	vmul.f32 v3, v4;
	v5 =	vadd.f32 v5, v7;
	v4 =	vld.idx.msk [tilespmem:v11+s16+$0x0], $0xffff;
	v7 =	vor.u32 $0x7, v2  }
0x14f: {  	v11 =	vld.idx.msk [tilespmem:v13+s15+$0x0], $0xffff  }
0x150: {  	v3 =	vadd.f32 v3, v5;
	v5 =	vmul.f32 v6, v12;
	v6 =	vld.idx.msk [tilespmem:v13+s16+$0x0], $0xffff;
	v12 =	vor.u32 $0x8, v2  }
0x151: {  	v13 =	vld.idx.msk [tilespmem:v9+s15+$0x0], $0xffff  }
0x152: {  	v3 =	vadd.f32 v5, v3;
	v5 =	vmul.f32 v8, v14;
	v8 =	vld.idx.msk [tilespmem:v9+s16+$0x0], $0xffff;
	v9 =	vor.u32 $0x9, v2  }
0x153: {  	v14 =	vld.idx.msk [tilespmem:v7+s15+$0x0], $0xffff  }
0x154: {  	v4 =	vmul.f32 v4, v10;
	v3 =	vadd.f32 v5, v3;
	v5 =	vld.idx.msk [tilespmem:v7+s16+$0x0], $0xffff;
	v7 =	vor.u32 $0xA, v2  }
0x155: {  	v10 =	vld.idx.msk [tilespmem:v12+s15+$0x0], $0xffff  }
0x156: {  	v3 =	vadd.f32 v4, v3;
	v4 =	vmul.f32 v6, v11;
	v6 =	vld.idx.msk [tilespmem:v12+s16+$0x0], $0xffff;
	v11 =	vor.u32 $0xB, v2  }
0x157: {  	v12 =	vld.idx.msk [tilespmem:v9+s15+$0x0], $0xffff  }
0x158: {  	v3 =	vadd.f32 v4, v3;
	v4 =	vmul.f32 v8, v13;
	v8 =	vld.idx.msk [tilespmem:v9+s16+$0x0], $0xffff;
	v9 =	vor.u32 $0xC, v2  }
0x159: {  	v13 =	vld.idx.msk [tilespmem:v7+s15+$0x0], $0xffff  }
0x15a: {  	v3 =	vadd.f32 v4, v3;
	v4 =	vmul.f32 v5, v14;
	v5 =	vld.idx.msk [tilespmem:v7+s16+$0x0], $0xffff;
	v7 =	vor.u32 $0xD, v2  }
0x15b: {  	v14 =	vld.idx.msk [tilespmem:v11+s15+$0x0], $0xffff  }
0x15c: {  	v3 =	vadd.f32 v4, v3;
	v4 =	vmul.f32 v6, v10;
	v6 =	vld.idx.msk [tilespmem:v11+s16+$0x0], $0xffff;
	v10 =	vor.u32 $0xE, v2  }
0x15d: {  	v11 =	vld.idx.msk [tilespmem:v9+s15+$0x0], $0xffff  }
0x15e: {  	v3 =	vadd.f32 v4, v3;
	v4 =	vmul.f32 v8, v12;
	v8 =	vld.idx.msk [tilespmem:v9+s16+$0x0], $0xffff;
	v9 =	vor.u32 $0xF, v2  }
0x15f: {  	v12 =	vld.idx.msk [tilespmem:v7+s15+$0x0], $0xffff  }
0x160: {  	v3 =	vadd.f32 v4, v3;
	v4 =	vmul.f32 v5, v13;
	v5 =	vld.idx.msk [tilespmem:v7+s16+$0x0], $0xffff;
	v7 =	vor.u32 $0x10, v2  }
0x161: {  	v13 =	vld.idx.msk [tilespmem:v10+s15+$0x0], $0xffff  }
0x162: {  	v3 =	vadd.f32 v4, v3;
	v4 =	vmul.f32 v6, v14;
	v6 =	vld.idx.msk [tilespmem:v10+s16+$0x0], $0xffff;
	v10 =	vor.u32 $0x11, v2  }
0x163: {  	v14 =	vld.idx.msk [tilespmem:v9+s15+$0x0], $0xffff  }
0x164: {  	v3 =	vadd.f32 v4, v3;
	v4 =	vmul.f32 v8, v11;
	v8 =	vld.idx.msk [tilespmem:v9+s16+$0x0], $0xffff;
	v9 =	vor.u32 $0x12, v2  }
0x165: {  	v11 =	vld.idx.msk [tilespmem:v7+s15+$0x0], $0xffff  }
0x166: {  	v3 =	vadd.f32 v4, v3;
	v4 =	vmul.f32 v5, v12;
	v5 =	vld.idx.msk [tilespmem:v7+s16+$0x0], $0xffff;
	v7 =	vor.u32 $0x13, v2  }
0x167: {  	v12 =	vld.idx.msk [tilespmem:v10+s15+$0x0], $0xffff  }
0x168: {  	v3 =	vadd.f32 v4, v3;
	v4 =	vmul.f32 v6, v13;
	v6 =	vld.idx.msk [tilespmem:v10+s16+$0x0], $0xffff;
	v10 =	vor.u32 $0x14, v2  }
0x169: {  	v13 =	vld.idx.msk [tilespmem:v9+s15+$0x0], $0xffff  }
0x16a: {  	v3 =	vadd.f32 v4, v3;
	v4 =	vmul.f32 v8, v14;
	v8 =	vld.idx.msk [tilespmem:v9+s16+$0x0], $0xffff;
	v9 =	vor.u32 $0x15, v2  }
0x16b: {  	v14 =	vld.idx.msk [tilespmem:v7+s15+$0x0], $0xffff  }
0x16c: {  	v3 =	vadd.f32 v4, v3;
	v4 =	vmul.f32 v5, v11;
	v5 =	vld.idx.msk [tilespmem:v7+s16+$0x0], $0xffff;
	v7 =	vor.u32 $0x16, v2  }
0x16d: {  	v11 =	vld.idx.msk [tilespmem:v10+s15+$0x0], $0xffff  }
0x16e: {  	v3 =	vadd.f32 v4, v3;
	v4 =	vmul.f32 v6, v12;
	v6 =	vld.idx.msk [tilespmem:v10+s16+$0x0], $0xffff;
	v10 =	vor.u32 $0x17, v2  }
0x16f: {  	v12 =	vld.idx.msk [tilespmem:v9+s15+$0x0], $0xffff  }
0x170: {  	v3 =	vadd.f32 v4, v3;
	v4 =	vmul.f32 v8, v13;
	v8 =	vld.idx.msk [tilespmem:v9+s16+$0x0], $0xffff;
	v9 =	vor.u32 $0x18, v2  }
0x171: {  	v13 =	vld.idx.msk [tilespmem:v7+s15+$0x0], $0xffff  }
0x172: {  	v3 =	vadd.f32 v4, v3;
	v4 =	vmul.f32 v5, v14;
	v5 =	vld.idx.msk [tilespmem:v7+s16+$0x0], $0xffff;
	v7 =	vor.u32 $0x19, v2  }
0x173: {  	v14 =	vld.idx.msk [tilespmem:v10+s15+$0x0], $0xffff  }
0x174: {  	v3 =	vadd.f32 v4, v3;
	v4 =	vmul.f32 v6, v11;
	v6 =	vld.idx.msk [tilespmem:v10+s16+$0x0], $0xffff;
	v10 =	vor.u32 $0x1A, v2  }
0x175: {  	v11 =	vld.idx.msk [tilespmem:v9+s15+$0x0], $0xffff  }
0x176: {  	v3 =	vadd.f32 v4, v3;
	v4 =	vmul.f32 v8, v12;
	v8 =	vld.idx.msk [tilespmem:v9+s16+$0x0], $0xffff;
	v9 =	vor.u32 $0x1B, v2  }
0x177: {  	v12 =	vld.idx.msk [tilespmem:v7+s15+$0x0], $0xffff  }
0x178: {  	v3 =	vadd.f32 v4, v3;
	v4 =	vmul.f32 v5, v13;
	v5 =	vld.idx.msk [tilespmem:v7+s16+$0x0], $0xffff;
	v7 =	vor.u32 $0x1C, v2  }
0x179: {  	v13 =	vld.idx.msk [tilespmem:v10+s15+$0x0], $0xffff  }
0x17a: {  	v3 =	vadd.f32 v4, v3;
	v4 =	vmul.f32 v6, v14;
	v6 =	vld.idx.msk [tilespmem:v10+s16+$0x0], $0xffff;
	v10 =	vor.u32 $0x1D, v2  }
0x17b: {  	v14 =	vld.idx.msk [tilespmem:v9+s15+$0x0], $0xffff  }
0x17c: {  	v3 =	vadd.f32 v4, v3;
	v4 =	vmul.f32 v8, v11;
	v8 =	vld.idx.msk [tilespmem:v9+s16+$0x0], $0xffff;
	v9 =	vor.u32 $0x1E, v2  }
0x17d: {  	v11 =	vld.idx.msk [tilespmem:v7+s15+$0x0], $0xffff  }
0x17e: {  	v3 =	vadd.f32 v4, v3;
	v4 =	vmul.f32 v5, v12;
	v5 =	vld.idx.msk [tilespmem:v7+s16+$0x0], $0xffff;
	v7 =	vor.u32 $0x1F, v2  }
0x17f: {  	v12 =	vld.idx.msk [tilespmem:v10+s15+$0x0], $0xffff  }
0x180: {  	v3 =	vadd.f32 v4, v3;
	v4 =	vmul.f32 v6, v13;
	v6 =	vld.idx.msk [tilespmem:v10+s16+$0x0], $0xffff;
	v10 =	vor.u32 $0x20, v2  }
0x181: {  	v13 =	vld.idx.msk [tilespmem:v9+s15+$0x0], $0xffff  }
0x182: {  	v3 =	vadd.f32 v4, v3;
	v4 =	vmul.f32 v8, v14;
	v8 =	vld.idx.msk [tilespmem:v9+s16+$0x0], $0xffff;
	v9 =	vor.u32 $0x21, v2  }
0x183: {  	v14 =	vld.idx.msk [tilespmem:v7+s15+$0x0], $0xffff  }
0x184: {  	v3 =	vadd.f32 v4, v3;
	v4 =	vmul.f32 v5, v11;
	v5 =	vld.idx.msk [tilespmem:v7+s16+$0x0], $0xffff;
	v7 =	vor.u32 $0x22, v2  }
0x185: {  	v11 =	vld.idx.msk [tilespmem:v10+s15+$0x0], $0xffff  }
0x186: {  	v3 =	vadd.f32 v4, v3;
	v4 =	vmul.f32 v6, v12;
	v6 =	vld.idx.msk [tilespmem:v10+s16+$0x0], $0xffff;
	v10 =	vor.u32 $0x23, v2  }
0x187: {  	v12 =	vld.idx.msk [tilespmem:v9+s15+$0x0], $0xffff  }
0x188: {  	v3 =	vadd.f32 v4, v3;
	v4 =	vmul.f32 v8, v13;
	v8 =	vld.idx.msk [tilespmem:v9+s16+$0x0], $0xffff;
	v9 =	vor.u32 $0x24, v2  }
0x189: {  	v13 =	vld.idx.msk [tilespmem:v7+s15+$0x0], $0xffff  }
0x18a: {  	v3 =	vadd.f32 v4, v3;
	v4 =	vmul.f32 v5, v14;
	v5 =	vld.idx.msk [tilespmem:v7+s16+$0x0], $0xffff;
	v7 =	vor.u32 $0x25, v2  }
0x18b: {  	v14 =	vld.idx.msk [tilespmem:v10+s15+$0x0], $0xffff  }
0x18c: {  	v3 =	vadd.f32 v4, v3;
	v4 =	vmul.f32 v6, v11;
	v6 =	vld.idx.msk [tilespmem:v10+s16+$0x0], $0xffff;
	v10 =	vor.u32 $0x26, v2  }
0x18d: {  	v11 =	vld.idx.msk [tilespmem:v9+s15+$0x0], $0xffff  }
0x18e: {  	v3 =	vadd.f32 v4, v3;
	v4 =	vmul.f32 v8, v12;
	v8 =	vld.idx.msk [tilespmem:v9+s16+$0x0], $0xffff;
	v9 =	vor.u32 $0x27, v2  }
0x18f: {  	v12 =	vld.idx.msk [tilespmem:v7+s15+$0x0], $0xffff  }
0x190: {  	v3 =	vadd.f32 v4, v3;
	v4 =	vmul.f32 v5, v13;
	v5 =	vld.idx.msk [tilespmem:v7+s16+$0x0], $0xffff;
	v7 =	vor.u32 $0x28, v2  }
0x191: {  	v13 =	vld.idx.msk [tilespmem:v10+s15+$0x0], $0xffff  }
0x192: {  	v3 =	vadd.f32 v4, v3;
	v4 =	vmul.f32 v6, v14;
	v6 =	vld.idx.msk [tilespmem:v10+s16+$0x0], $0xffff;
	v10 =	vor.u32 $0x29, v2  }
0x193: {  	v14 =	vld.idx.msk [tilespmem:v9+s15+$0x0], $0xffff  }
0x194: {  	v3 =	vadd.f32 v4, v3;
	v4 =	vmul.f32 v8, v11;
	v8 =	vld.idx.msk [tilespmem:v9+s16+$0x0], $0xffff;
	v9 =	vor.u32 $0x2A, v2  }
0x195: {  	v11 =	vld.idx.msk [tilespmem:v7+s15+$0x0], $0xffff  }
0x196: {  	v3 =	vadd.f32 v4, v3;
	v4 =	vmul.f32 v5, v12;
	v5 =	vld.idx.msk [tilespmem:v7+s16+$0x0], $0xffff;
	v7 =	vor.u32 $0x2B, v2  }
0x197: {  	v12 =	vld.idx.msk [tilespmem:v10+s15+$0x0], $0xffff  }
0x198: {  	v3 =	vadd.f32 v4, v3;
	v4 =	vmul.f32 v6, v13;
	v6 =	vld.idx.msk [tilespmem:v10+s16+$0x0], $0xffff;
	v10 =	vor.u32 $0x2C, v2  }
0x199: {  	v13 =	vld.idx.msk [tilespmem:v9+s15+$0x0], $0xffff  }
0x19a: {  	v3 =	vadd.f32 v4, v3;
	v4 =	vmul.f32 v8, v14;
	v8 =	vld.idx.msk [tilespmem:v9+s16+$0x0], $0xffff;
	v9 =	vor.u32 $0x2D, v2  }
0x19b: {  	v14 =	vld.idx.msk [tilespmem:v7+s15+$0x0], $0xffff  }
0x19c: {  	v3 =	vadd.f32 v4, v3;
	v4 =	vmul.f32 v5, v11;
	v5 =	vld.idx.msk [tilespmem:v7+s16+$0x0], $0xffff;
	v7 =	vor.u32 $0x2E, v2  }
0x19d: {  	v11 =	vld.idx.msk [tilespmem:v10+s15+$0x0], $0xffff  }
0x19e: {  	v3 =	vadd.f32 v4, v3;
	v4 =	vmul.f32 v6, v12;
	v6 =	vld.idx.msk [tilespmem:v10+s16+$0x0], $0xffff;
	v10 =	vor.u32 $0x2F, v2  }
0x19f: {  	v12 =	vld.idx.msk [tilespmem:v9+s15+$0x0], $0xffff  }
0x1a0: {  	v3 =	vadd.f32 v4, v3;
	v4 =	vmul.f32 v8, v13;
	v8 =	vld.idx.msk [tilespmem:v9+s16+$0x0], $0xffff;
	v9 =	vor.u32 $0x30, v2  }
0x1a1: {  	v13 =	vld.idx.msk [tilespmem:v7+s15+$0x0], $0xffff  }
0x1a2: {  	v3 =	vadd.f32 v4, v3;
	v4 =	vmul.f32 v5, v14;
	v5 =	vld.idx.msk [tilespmem:v7+s16+$0x0], $0xffff;
	v7 =	vor.u32 $0x31, v2  }
0x1a3: {  	v14 =	vld.idx.msk [tilespmem:v10+s15+$0x0], $0xffff  }
0x1a4: {  	v3 =	vadd.f32 v4, v3;
	v4 =	vmul.f32 v6, v11;
	v6 =	vld.idx.msk [tilespmem:v10+s16+$0x0], $0xffff;
	v10 =	vor.u32 $0x32, v2  }
0x1a5: {  	v11 =	vld.idx.msk [tilespmem:v9+s15+$0x0], $0xffff  }
0x1a6: {  	v3 =	vadd.f32 v4, v3;
	v4 =	vmul.f32 v8, v12;
	v8 =	vld.idx.msk [tilespmem:v9+s16+$0x0], $0xffff;
	v9 =	vor.u32 $0x33, v2  }
0x1a7: {  	v12 =	vld.idx.msk [tilespmem:v7+s15+$0x0], $0xffff  }
0x1a8: {  	v3 =	vadd.f32 v4, v3;
	v4 =	vmul.f32 v5, v13;
	v5 =	vld.idx.msk [tilespmem:v7+s16+$0x0], $0xffff;
	v7 =	vor.u32 $0x34, v2  }
0x1a9: {  	v13 =	vld.idx.msk [tilespmem:v10+s15+$0x0], $0xffff  }
0x1aa: {  	v3 =	vadd.f32 v4, v3;
	v4 =	vmul.f32 v6, v14;
	v6 =	vld.idx.msk [tilespmem:v10+s16+$0x0], $0xffff;
	v10 =	vor.u32 $0x35, v2  }
0x1ab: {  	v14 =	vld.idx.msk [tilespmem:v9+s15+$0x0], $0xffff  }
0x1ac: {  	v3 =	vadd.f32 v4, v3;
	v4 =	vmul.f32 v8, v11;
	v8 =	vld.idx.msk [tilespmem:v9+s16+$0x0], $0xffff;
	v9 =	vor.u32 $0x36, v2  }
0x1ad: {  	v11 =	vld.idx.msk [tilespmem:v7+s15+$0x0], $0xffff  }
0x1ae: {  	v3 =	vadd.f32 v4, v3;
	v4 =	vmul.f32 v5, v12;
	v5 =	vld.idx.msk [tilespmem:v7+s16+$0x0], $0xffff;
	v7 =	vor.u32 $0x37, v2  }
0x1af: {  	v12 =	vld.idx.msk [tilespmem:v10+s15+$0x0], $0xffff  }
0x1b0: {  	v3 =	vadd.f32 v4, v3;
	v4 =	vmul.f32 v6, v13;
	v6 =	vld.idx.msk [tilespmem:v10+s16+$0x0], $0xffff;
	v10 =	vor.u32 $0x38, v2  }
0x1b1: {  	v13 =	vld.idx.msk [tilespmem:v9+s15+$0x0], $0xffff  }
0x1b2: {  	v3 =	vadd.f32 v4, v3;
	v4 =	vmul.f32 v8, v14;
	v8 =	vld.idx.msk [tilespmem:v9+s16+$0x0], $0xffff;
	v9 =	vor.u32 $0x39, v2  }
0x1b3: {  	v14 =	vld.idx.msk [tilespmem:v7+s15+$0x0], $0xffff  }
0x1b4: {  	v3 =	vadd.f32 v4, v3;
	v4 =	vmul.f32 v5, v11;
	v5 =	vld.idx.msk [tilespmem:v7+s16+$0x0], $0xffff;
	v7 =	vor.u32 $0x3A, v2  }
0x1b5: {  	v11 =	vld.idx.msk [tilespmem:v10+s15+$0x0], $0xffff  }
0x1b6: {  	v3 =	vadd.f32 v4, v3;
	v4 =	vmul.f32 v6, v12;
	v6 =	vld.idx.msk [tilespmem:v10+s16+$0x0], $0xffff;
	v10 =	vor.u32 $0x3B, v2  }
0x1b7: {  	v12 =	vld.idx.msk [tilespmem:v9+s15+$0x0], $0xffff  }
0x1b8: {  	v3 =	vadd.f32 v4, v3;
	v4 =	vmul.f32 v8, v13;
	v8 =	vld.idx.msk [tilespmem:v9+s16+$0x0], $0xffff;
	v9 =	vor.u32 $0x3C, v2  }
0x1b9: {  	v13 =	vld.idx.msk [tilespmem:v7+s15+$0x0], $0xffff  }
0x1ba: {  	v3 =	vadd.f32 v4, v3;
	v4 =	vmul.f32 v5, v14;
	v5 =	vld.idx.msk [tilespmem:v7+s16+$0x0], $0xffff;
	v7 =	vor.u32 $0x3D, v2  }
0x1bb: {  	v14 =	vld.idx.msk [tilespmem:v10+s15+$0x0], $0xffff  }
0x1bc: {  	v3 =	vadd.f32 v4, v3;
	v4 =	vmul.f32 v6, v11;
	v6 =	vld.idx.msk [tilespmem:v10+s16+$0x0], $0xffff;
	v10 =	vor.u32 $0x3E, v2  }
0x1bd: {  	v11 =	vld.idx.msk [tilespmem:v9+s15+$0x0], $0xffff  }
0x1be: {  	v2 =	vor.u32 $0x3F, v2;
	v3 =	vadd.f32 v4, v3;
	v4 =	vmul.f32 v8, v12;
	v8 =	vld.idx.msk [tilespmem:v9+s16+$0x0], $0xffff  }
0x1bf: {  	v9 =	vld.idx.msk [tilespmem:v7+s15+$0x0], $0xffff  }
0x1c0: {  	v3 =	vadd.f32 v4, v3;
	v4 =	vmul.f32 v5, v13;
	v5 =	vld.idx.msk [tilespmem:v7+s16+$0x0], $0xffff  }
0x1c1: {  	v7 =	vld.idx.msk [tilespmem:v10+s15+$0x0], $0xffff  }
0x1c2: {  	v3 =	vadd.f32 v4, v3;
	v4 =	vmul.f32 v6, v14;
	v6 =	vld.idx.msk [tilespmem:v10+s16+$0x0], $0xffff  }
0x1c3: {  	v10 =	vld.idx.msk [tilespmem:v2+s15+$0x0], $0xffff  }
0x1c4: {  	v3 =	vadd.f32 v4, v3;
	v4 =	vmul.f32 v8, v11;
	v8 =	vld.idx.msk [tilespmem:v2+s16+$0x0], $0xffff;
	_ =	sdelay $0x1  }
0x1c5: {  	v2 =	vadd.f32 v4, v3;
	v3 =	vmul.f32 v5, v9  }
.Ltmp0:
0x1c6: {  	v4 =	vmov s23;
	(pc) =	sbr.rel @p0 .LBB2_2-.Ltmp0, $4  }
0x1c7: {  	v4 =	vshll.u32 v4, $0x6;
	v6 =	vmul.f32 v6, v7;
	v5 =	vadd.f32 v3, v2  }
0x1c8: {  	v2 =	vor.u32 v0, v4  }
0x1c9: {  	v3 =	vor.u32 $0x1, v2;
	v4 =	vadd.f32 v6, v5;
	v5 =	vmul.f32 v8, v10  }
0x1ca: {  	s23 =	sadd.s32 $0x10, s23  }
0x1cb: {  	_ = 	snop  }
0x1cc: {  	v4 =	vadd.f32 v5, v4  }
0x1cd: {  	s22 =	sadd.s32 $0x10, s22  }
0x1ce: {  	[tilespmem:s22+$0x0] =	vst v4  }
0x1cf: {  	s20 =	sadd.s32 $0x10, s20;
	v4 =	vld.idx.msk [tilespmem:v2+s15+$0x0], $0xffff  }
0x1d0: {  	v29 =	vor.u32 $0x2, v2;
	v6 =	vld [tilespmem:s20+$0x0]  }
0x1d1: {  	s30 =	sadd.s32 $0x10, s21;
	v7 =	vld.idx.msk [tilespmem:v2+s16+$0x0], $0xffff  }
0x1d2: {  	v8 =	vor.u32 $0x3, v2;
	v9 =	vld [tilespmem:s30+$0x0]  }
0x1d3: {  	v10 =	vld.idx.msk [tilespmem:v3+s15+$0x0], $0xffff  }
0x1d4: {  	v11 =	vor.u32 $0x4, v2;
	v3 =	vld.idx.msk [tilespmem:v3+s16+$0x0], $0xffff  }
0x1d5: {  	v12 =	vld.idx.msk [tilespmem:v29+s15+$0x0], $0xffff;
	v1 =	vadd.f32 v6, v1  }
0x1d6: {  	v30 =	vor.u32 $0x5, v2;
	v5 =	vld.idx.msk [tilespmem:v29+s16+$0x0], $0xffff  }
0x1d7: {  	v13 =	vld.idx.msk [tilespmem:v8+s15+$0x0], $0xffff;
	v4 =	vmul.f32 v7, v4;
	v1 =	vadd.f32 v9, v1  }
0x1d8: {  	v32 =	vor.u32 $0x6, v2;
	v31 =	vld.idx.msk [tilespmem:v8+s16+$0x0], $0xffff  }
0x1d9: {  	v33 =	vld.idx.msk [tilespmem:v11+s15+$0x0], $0xffff;
	v3 =	vmul.f32 v3, v10;
	v1 =	vadd.f32 v4, v1  }
0x1da: {  	v35 =	vor.u32 $0x7, v2;
	v34 =	vld.idx.msk [tilespmem:v11+s16+$0x0], $0xffff  }
0x1db: {  	v36 =	vld.idx.msk [tilespmem:v30+s15+$0x0], $0xffff;
	v1 =	vadd.f32 v3, v1;
	v3 =	vmul.f32 v5, v12  }
0x1dc: {  	v38 =	vor.u32 $0x8, v2;
	v37 =	vld.idx.msk [tilespmem:v30+s16+$0x0], $0xffff  }
0x1dd: {  	v39 =	vld.idx.msk [tilespmem:v32+s15+$0x0], $0xffff;
	v1 =	vadd.f32 v3, v1;
	v3 =	vmul.f32 v31, v13  }
0x1de: {  	v41 =	vor.u32 $0x9, v2;
	v40 =	vld.idx.msk [tilespmem:v32+s16+$0x0], $0xffff  }
0x1df: {  	v42 =	vld.idx.msk [tilespmem:v35+s15+$0x0], $0xffff;
	v1 =	vadd.f32 v3, v1;
	v3 =	vmul.f32 v34, v33  }
0x1e0: {  	v44 =	vor.u32 $0xA, v2;
	v43 =	vld.idx.msk [tilespmem:v35+s16+$0x0], $0xffff  }
0x1e1: {  	v45 =	vld.idx.msk [tilespmem:v38+s15+$0x0], $0xffff;
	v1 =	vadd.f32 v3, v1;
	v3 =	vmul.f32 v37, v36  }
0x1e2: {  	v47 =	vor.u32 $0xB, v2;
	v46 =	vld.idx.msk [tilespmem:v38+s16+$0x0], $0xffff  }
0x1e3: {  	v48 =	vld.idx.msk [tilespmem:v41+s15+$0x0], $0xffff;
	v1 =	vadd.f32 v3, v1;
	v3 =	vmul.f32 v40, v39  }
0x1e4: {  	v50 =	vor.u32 $0xC, v2;
	v49 =	vld.idx.msk [tilespmem:v41+s16+$0x0], $0xffff  }
0x1e5: {  	v51 =	vld.idx.msk [tilespmem:v44+s15+$0x0], $0xffff;
	v1 =	vadd.f32 v3, v1;
	v3 =	vmul.f32 v43, v42  }
0x1e6: {  	v53 =	vor.u32 $0xD, v2;
	v52 =	vld.idx.msk [tilespmem:v44+s16+$0x0], $0xffff  }
0x1e7: {  	v54 =	vld.idx.msk [tilespmem:v47+s15+$0x0], $0xffff;
	v1 =	vadd.f32 v3, v1;
	v3 =	vmul.f32 v46, v45  }
0x1e8: {  	v56 =	vor.u32 $0xE, v2;
	v55 =	vld.idx.msk [tilespmem:v47+s16+$0x0], $0xffff  }
0x1e9: {  	v57 =	vld.idx.msk [tilespmem:v50+s15+$0x0], $0xffff;
	v1 =	vadd.f32 v3, v1;
	v3 =	vmul.f32 v49, v48  }
0x1ea: {  	v59 =	vor.u32 $0xF, v2;
	v58 =	vld.idx.msk [tilespmem:v50+s16+$0x0], $0xffff  }
0x1eb: {  	v60 =	vld.idx.msk [tilespmem:v53+s15+$0x0], $0xffff;
	v1 =	vadd.f32 v3, v1;
	v3 =	vmul.f32 v52, v51  }
0x1ec: {  	v62 =	vor.u32 $0x10, v2;
	v61 =	vld.idx.msk [tilespmem:v53+s16+$0x0], $0xffff  }
0x1ed: {  	v63 =	vld.idx.msk [tilespmem:v56+s15+$0x0], $0xffff;
	v1 =	vadd.f32 v3, v1;
	v3 =	vmul.f32 v55, v54  }
0x1ee: {  	v17 =	vor.u32 $0x11, v2;
	v16 =	vld.idx.msk [tilespmem:v56+s16+$0x0], $0xffff  }
0x1ef: {  	v18 =	vld.idx.msk [tilespmem:v59+s15+$0x0], $0xffff;
	v1 =	vadd.f32 v3, v1;
	v3 =	vmul.f32 v58, v57  }
0x1f0: {  	v20 =	vor.u32 $0x12, v2;
	v19 =	vld.idx.msk [tilespmem:v59+s16+$0x0], $0xffff  }
0x1f1: {  	v21 =	vld.idx.msk [tilespmem:v62+s15+$0x0], $0xffff;
	v1 =	vadd.f32 v3, v1;
	v3 =	vmul.f32 v61, v60  }
0x1f2: {  	v23 =	vor.u32 $0x13, v2;
	v22 =	vld.idx.msk [tilespmem:v62+s16+$0x0], $0xffff  }
0x1f3: {  	v24 =	vld.idx.msk [tilespmem:v17+s15+$0x0], $0xffff;
	v1 =	vadd.f32 v3, v1;
	v3 =	vmul.f32 v16, v63  }
0x1f4: {  	v26 =	vor.u32 $0x14, v2;
	v25 =	vld.idx.msk [tilespmem:v17+s16+$0x0], $0xffff  }
0x1f5: {  	v27 =	vld.idx.msk [tilespmem:v20+s15+$0x0], $0xffff;
	v1 =	vadd.f32 v3, v1;
	v3 =	vmul.f32 v19, v18  }
0x1f6: {  	v28 =	vld.idx.msk [tilespmem:v20+s16+$0x0], $0xffff;
	v29 =	vor.u32 $0x15, v2  }
0x1f7: {  	v30 =	vld.idx.msk [tilespmem:v23+s15+$0x0], $0xffff;
	v1 =	vadd.f32 v3, v1;
	v3 =	vmul.f32 v22, v21  }
0x1f8: {  	v32 =	vor.u32 $0x16, v2;
	v31 =	vld.idx.msk [tilespmem:v23+s16+$0x0], $0xffff  }
0x1f9: {  	v33 =	vld.idx.msk [tilespmem:v26+s15+$0x0], $0xffff;
	v1 =	vadd.f32 v3, v1;
	v3 =	vmul.f32 v25, v24  }
0x1fa: {  	v35 =	vor.u32 $0x17, v2;
	v34 =	vld.idx.msk [tilespmem:v26+s16+$0x0], $0xffff  }
0x1fb: {  	v36 =	vld.idx.msk [tilespmem:v29+s15+$0x0], $0xffff;
	v1 =	vadd.f32 v3, v1;
	v3 =	vmul.f32 v28, v27  }
0x1fc: {  	v38 =	vor.u32 $0x18, v2;
	v37 =	vld.idx.msk [tilespmem:v29+s16+$0x0], $0xffff  }
0x1fd: {  	v39 =	vld.idx.msk [tilespmem:v32+s15+$0x0], $0xffff;
	v1 =	vadd.f32 v3, v1;
	v3 =	vmul.f32 v31, v30  }
0x1fe: {  	v41 =	vor.u32 $0x19, v2;
	v40 =	vld.idx.msk [tilespmem:v32+s16+$0x0], $0xffff  }
0x1ff: {  	v42 =	vld.idx.msk [tilespmem:v35+s15+$0x0], $0xffff;
	v1 =	vadd.f32 v3, v1;
	v3 =	vmul.f32 v34, v33  }
0x200: {  	v44 =	vor.u32 $0x1A, v2;
	v43 =	vld.idx.msk [tilespmem:v35+s16+$0x0], $0xffff  }
0x201: {  	v45 =	vld.idx.msk [tilespmem:v38+s15+$0x0], $0xffff;
	v1 =	vadd.f32 v3, v1;
	v3 =	vmul.f32 v37, v36  }
0x202: {  	v47 =	vor.u32 $0x1B, v2;
	v46 =	vld.idx.msk [tilespmem:v38+s16+$0x0], $0xffff  }
0x203: {  	v48 =	vld.idx.msk [tilespmem:v41+s15+$0x0], $0xffff;
	v1 =	vadd.f32 v3, v1;
	v3 =	vmul.f32 v40, v39  }
0x204: {  	v50 =	vor.u32 $0x1C, v2;
	v49 =	vld.idx.msk [tilespmem:v41+s16+$0x0], $0xffff  }
0x205: {  	v51 =	vld.idx.msk [tilespmem:v44+s15+$0x0], $0xffff;
	v1 =	vadd.f32 v3, v1;
	v3 =	vmul.f32 v43, v42  }
0x206: {  	v53 =	vor.u32 $0x1D, v2;
	v52 =	vld.idx.msk [tilespmem:v44+s16+$0x0], $0xffff  }
0x207: {  	v54 =	vld.idx.msk [tilespmem:v47+s15+$0x0], $0xffff;
	v1 =	vadd.f32 v3, v1;
	v3 =	vmul.f32 v46, v45  }
0x208: {  	v56 =	vor.u32 $0x1E, v2;
	v55 =	vld.idx.msk [tilespmem:v47+s16+$0x0], $0xffff  }
0x209: {  	v57 =	vld.idx.msk [tilespmem:v50+s15+$0x0], $0xffff;
	v1 =	vadd.f32 v3, v1;
	v3 =	vmul.f32 v49, v48  }
0x20a: {  	v59 =	vor.u32 $0x1F, v2;
	v58 =	vld.idx.msk [tilespmem:v50+s16+$0x0], $0xffff  }
0x20b: {  	v60 =	vld.idx.msk [tilespmem:v53+s15+$0x0], $0xffff;
	v1 =	vadd.f32 v3, v1;
	v3 =	vmul.f32 v52, v51  }
0x20c: {  	v62 =	vor.u32 $0x20, v2;
	v61 =	vld.idx.msk [tilespmem:v53+s16+$0x0], $0xffff  }
0x20d: {  	v63 =	vld.idx.msk [tilespmem:v56+s15+$0x0], $0xffff;
	v1 =	vadd.f32 v3, v1;
	v3 =	vmul.f32 v55, v54  }
0x20e: {  	v17 =	vor.u32 $0x21, v2;
	v16 =	vld.idx.msk [tilespmem:v56+s16+$0x0], $0xffff  }
0x20f: {  	v18 =	vld.idx.msk [tilespmem:v59+s15+$0x0], $0xffff;
	v1 =	vadd.f32 v3, v1;
	v3 =	vmul.f32 v58, v57  }
0x210: {  	v20 =	vor.u32 $0x22, v2;
	v19 =	vld.idx.msk [tilespmem:v59+s16+$0x0], $0xffff  }
0x211: {  	v21 =	vld.idx.msk [tilespmem:v62+s15+$0x0], $0xffff;
	v1 =	vadd.f32 v3, v1;
	v3 =	vmul.f32 v61, v60  }
0x212: {  	v23 =	vor.u32 $0x23, v2;
	v22 =	vld.idx.msk [tilespmem:v62+s16+$0x0], $0xffff  }
0x213: {  	v24 =	vld.idx.msk [tilespmem:v17+s15+$0x0], $0xffff;
	v1 =	vadd.f32 v3, v1;
	v3 =	vmul.f32 v16, v63  }
0x214: {  	v26 =	vor.u32 $0x24, v2;
	v25 =	vld.idx.msk [tilespmem:v17+s16+$0x0], $0xffff  }
0x215: {  	v27 =	vld.idx.msk [tilespmem:v20+s15+$0x0], $0xffff;
	v1 =	vadd.f32 v3, v1;
	v3 =	vmul.f32 v19, v18  }
0x216: {  	v29 =	vor.u32 $0x25, v2;
	v28 =	vld.idx.msk [tilespmem:v20+s16+$0x0], $0xffff  }
0x217: {  	v30 =	vld.idx.msk [tilespmem:v23+s15+$0x0], $0xffff;
	v1 =	vadd.f32 v3, v1;
	v3 =	vmul.f32 v22, v21  }
0x218: {  	v32 =	vor.u32 $0x26, v2;
	v31 =	vld.idx.msk [tilespmem:v23+s16+$0x0], $0xffff  }
0x219: {  	v33 =	vld.idx.msk [tilespmem:v26+s15+$0x0], $0xffff;
	v1 =	vadd.f32 v3, v1;
	v3 =	vmul.f32 v25, v24  }
0x21a: {  	v35 =	vor.u32 $0x27, v2;
	v34 =	vld.idx.msk [tilespmem:v26+s16+$0x0], $0xffff  }
0x21b: {  	v36 =	vld.idx.msk [tilespmem:v29+s15+$0x0], $0xffff;
	v1 =	vadd.f32 v3, v1;
	v3 =	vmul.f32 v28, v27  }
0x21c: {  	v38 =	vor.u32 $0x28, v2;
	v37 =	vld.idx.msk [tilespmem:v29+s16+$0x0], $0xffff  }
0x21d: {  	v39 =	vld.idx.msk [tilespmem:v32+s15+$0x0], $0xffff;
	v1 =	vadd.f32 v3, v1;
	v3 =	vmul.f32 v31, v30  }
0x21e: {  	v41 =	vor.u32 $0x29, v2;
	v40 =	vld.idx.msk [tilespmem:v32+s16+$0x0], $0xffff  }
0x21f: {  	v42 =	vld.idx.msk [tilespmem:v35+s15+$0x0], $0xffff;
	v1 =	vadd.f32 v3, v1;
	v3 =	vmul.f32 v34, v33  }
0x220: {  	v44 =	vor.u32 $0x2A, v2;
	v43 =	vld.idx.msk [tilespmem:v35+s16+$0x0], $0xffff  }
0x221: {  	v45 =	vld.idx.msk [tilespmem:v38+s15+$0x0], $0xffff;
	v1 =	vadd.f32 v3, v1;
	v3 =	vmul.f32 v37, v36  }
0x222: {  	v47 =	vor.u32 $0x2B, v2;
	v46 =	vld.idx.msk [tilespmem:v38+s16+$0x0], $0xffff  }
0x223: {  	v48 =	vld.idx.msk [tilespmem:v41+s15+$0x0], $0xffff;
	v1 =	vadd.f32 v3, v1;
	v3 =	vmul.f32 v40, v39  }
0x224: {  	v50 =	vor.u32 $0x2C, v2;
	v49 =	vld.idx.msk [tilespmem:v41+s16+$0x0], $0xffff  }
0x225: {  	v51 =	vld.idx.msk [tilespmem:v44+s15+$0x0], $0xffff;
	v1 =	vadd.f32 v3, v1;
	v3 =	vmul.f32 v43, v42  }
0x226: {  	v53 =	vor.u32 $0x2D, v2;
	v52 =	vld.idx.msk [tilespmem:v44+s16+$0x0], $0xffff  }
0x227: {  	v54 =	vld.idx.msk [tilespmem:v47+s15+$0x0], $0xffff;
	v1 =	vadd.f32 v3, v1;
	v3 =	vmul.f32 v46, v45  }
0x228: {  	v56 =	vor.u32 $0x2E, v2;
	v55 =	vld.idx.msk [tilespmem:v47+s16+$0x0], $0xffff  }
0x229: {  	v57 =	vld.idx.msk [tilespmem:v50+s15+$0x0], $0xffff;
	v1 =	vadd.f32 v3, v1;
	v3 =	vmul.f32 v49, v48  }
0x22a: {  	v59 =	vor.u32 $0x2F, v2;
	v58 =	vld.idx.msk [tilespmem:v50+s16+$0x0], $0xffff  }
0x22b: {  	v60 =	vld.idx.msk [tilespmem:v53+s15+$0x0], $0xffff;
	v1 =	vadd.f32 v3, v1;
	v3 =	vmul.f32 v52, v51  }
0x22c: {  	v62 =	vor.u32 $0x30, v2;
	v61 =	vld.idx.msk [tilespmem:v53+s16+$0x0], $0xffff  }
0x22d: {  	v63 =	vld.idx.msk [tilespmem:v56+s15+$0x0], $0xffff;
	v1 =	vadd.f32 v3, v1;
	v3 =	vmul.f32 v55, v54  }
0x22e: {  	v17 =	vor.u32 $0x31, v2;
	v16 =	vld.idx.msk [tilespmem:v56+s16+$0x0], $0xffff  }
0x22f: {  	v18 =	vld.idx.msk [tilespmem:v59+s15+$0x0], $0xffff;
	v1 =	vadd.f32 v3, v1;
	v3 =	vmul.f32 v58, v57  }
0x230: {  	v20 =	vor.u32 $0x32, v2;
	v19 =	vld.idx.msk [tilespmem:v59+s16+$0x0], $0xffff  }
0x231: {  	v21 =	vld.idx.msk [tilespmem:v62+s15+$0x0], $0xffff;
	v1 =	vadd.f32 v3, v1;
	v3 =	vmul.f32 v61, v60  }
0x232: {  	v23 =	vor.u32 $0x33, v2;
	v22 =	vld.idx.msk [tilespmem:v62+s16+$0x0], $0xffff  }
0x233: {  	v24 =	vld.idx.msk [tilespmem:v17+s15+$0x0], $0xffff;
	v1 =	vadd.f32 v3, v1;
	v3 =	vmul.f32 v16, v63  }
0x234: {  	v26 =	vor.u32 $0x34, v2;
	v25 =	vld.idx.msk [tilespmem:v17+s16+$0x0], $0xffff  }
0x235: {  	v27 =	vld.idx.msk [tilespmem:v20+s15+$0x0], $0xffff;
	v1 =	vadd.f32 v3, v1;
	v3 =	vmul.f32 v19, v18  }
0x236: {  	v29 =	vor.u32 $0x35, v2;
	v28 =	vld.idx.msk [tilespmem:v20+s16+$0x0], $0xffff  }
0x237: {  	v30 =	vld.idx.msk [tilespmem:v23+s15+$0x0], $0xffff;
	v1 =	vadd.f32 v3, v1;
	v3 =	vmul.f32 v22, v21  }
0x238: {  	v32 =	vor.u32 $0x36, v2;
	v31 =	vld.idx.msk [tilespmem:v23+s16+$0x0], $0xffff  }
0x239: {  	v33 =	vld.idx.msk [tilespmem:v26+s15+$0x0], $0xffff;
	v1 =	vadd.f32 v3, v1;
	v3 =	vmul.f32 v25, v24  }
0x23a: {  	v35 =	vor.u32 $0x37, v2;
	v34 =	vld.idx.msk [tilespmem:v26+s16+$0x0], $0xffff  }
0x23b: {  	v36 =	vld.idx.msk [tilespmem:v29+s15+$0x0], $0xffff;
	v1 =	vadd.f32 v3, v1;
	v3 =	vmul.f32 v28, v27  }
0x23c: {  	v38 =	vor.u32 $0x38, v2;
	v37 =	vld.idx.msk [tilespmem:v29+s16+$0x0], $0xffff  }
0x23d: {  	v39 =	vld.idx.msk [tilespmem:v32+s15+$0x0], $0xffff;
	v1 =	vadd.f32 v3, v1;
	v3 =	vmul.f32 v31, v30  }
0x23e: {  	v41 =	vor.u32 $0x39, v2;
	v40 =	vld.idx.msk [tilespmem:v32+s16+$0x0], $0xffff  }
0x23f: {  	v42 =	vld.idx.msk [tilespmem:v35+s15+$0x0], $0xffff;
	v1 =	vadd.f32 v3, v1;
	v3 =	vmul.f32 v34, v33  }
0x240: {  	v44 =	vor.u32 $0x3A, v2;
	v43 =	vld.idx.msk [tilespmem:v35+s16+$0x0], $0xffff  }
0x241: {  	v45 =	vld.idx.msk [tilespmem:v38+s15+$0x0], $0xffff;
	v1 =	vadd.f32 v3, v1;
	v3 =	vmul.f32 v37, v36  }
0x242: {  	v47 =	vor.u32 $0x3B, v2;
	v46 =	vld.idx.msk [tilespmem:v38+s16+$0x0], $0xffff  }
0x243: {  	v48 =	vld.idx.msk [tilespmem:v41+s15+$0x0], $0xffff;
	v1 =	vadd.f32 v3, v1;
	v3 =	vmul.f32 v40, v39  }
0x244: {  	v50 =	vor.u32 $0x3C, v2;
	v49 =	vld.idx.msk [tilespmem:v41+s16+$0x0], $0xffff  }
0x245: {  	v51 =	vld.idx.msk [tilespmem:v44+s15+$0x0], $0xffff;
	v1 =	vadd.f32 v3, v1;
	v3 =	vmul.f32 v43, v42  }
0x246: {  	v53 =	vor.u32 $0x3D, v2;
	v52 =	vld.idx.msk [tilespmem:v44+s16+$0x0], $0xffff  }
0x247: {  	v54 =	vld.idx.msk [tilespmem:v47+s15+$0x0], $0xffff;
	v1 =	vadd.f32 v3, v1;
	v3 =	vmul.f32 v46, v45  }
0x248: {  	v56 =	vor.u32 $0x3E, v2;
	v55 =	vld.idx.msk [tilespmem:v47+s16+$0x0], $0xffff  }
0x249: {  	v57 =	vld.idx.msk [tilespmem:v50+s15+$0x0], $0xffff;
	v1 =	vadd.f32 v3, v1;
	v3 =	vmul.f32 v49, v48  }
0x24a: {  	v2 =	vor.u32 $0x3F, v2;
	v58 =	vld.idx.msk [tilespmem:v50+s16+$0x0], $0xffff  }
0x24b: {  	v59 =	vld.idx.msk [tilespmem:v53+s15+$0x0], $0xffff;
	v1 =	vadd.f32 v3, v1;
	v3 =	vmul.f32 v52, v51  }
0x24c: {  	v60 =	vld.idx.msk [tilespmem:v53+s16+$0x0], $0xffff  }
0x24d: {  	v62 =	vld.idx.msk [tilespmem:v56+s16+$0x0], $0xffff;
	v1 =	vadd.f32 v3, v1;
	v3 =	vmul.f32 v55, v54  }
0x24e: {  	v61 =	vld.idx.msk [tilespmem:v56+s15+$0x0], $0xffff  }
0x24f: {  	v63 =	vld.idx.msk [tilespmem:v2+s15+$0x0], $0xffff;
	v1 =	vadd.f32 v3, v1;
	v3 =	vmul.f32 v58, v57  }
0x250: {  	v2 =	vld.idx.msk [tilespmem:v2+s16+$0x0], $0xffff  }
0x251: {  	v1 =	vadd.f32 v3, v1;
	v3 =	vmul.f32 v60, v59;
	_ =	sdelay $0x1  }
0x252: {  	v1 =	vadd.f32 v3, v1;
	v3 =	vmul.f32 v62, v61;
	_ =	sdelay $0x1  }
0x253: {  	v2 =	vmul.f32 v2, v63;
	v1 =	vadd.f32 v3, v1;
	_ =	sdelay $0x1  }
0x254: {  	s19 =	sadd.s32 $0x1, s19;
	v1 =	vadd.f32 v2, v1  }
0x255: {  	s31 =	sadd.s32 $0x10, s22;
	p0 =	sne.s32 s19, s11  }
.Ltmp1:
0x256: {  	[tilespmem:s31+$0x0] =	vst v1;
	(pc) =	sbr.rel @p0 .LBB2_1-.Ltmp1, $4  }
0x257: {  	[hbm4b:s10+s2] =	stream.linear.scatter [tilespmem:s18], [sflag:$0x2], $0x200, $0x38;
	[tilespmem:$0x10A10] =	vst v63  }
0x258: {  	_ =	swait.ge [sflag:s12], $0x200  }
0x259: {  	[sflag:s12] =	ssyncset.done $0x0  }
0x25a: {  	[sflag:s12] =	ssyncadd.s32 $0xFFFFFE00  }
0x25b: {  	_ =	sfence.sel $0x180000  }
0x25c: {  	[bflag:$0x0] =	sbarrier.arrive $0xFFFF  }
0x25d: {  	p0 =	sne.s32 s3, $0x0;
	_ =	strace $0x90000047  }
0x25e: {  	s0 =	sadd.s32 @!p0 $0x100000, s0;
	[bflag:$0x2] =	sbarrier.arrive $0xFFFF  }
0x25f: {  	[sflag:s0] =	ssyncadd.tile.s32 @!p0 $0x1;
	_ =	shalt  }
.Lfunc_end2:
_tile_overlayer_lowered:
.L_overlay_start_2:
0x260: {  	(tag) =	ssettag $0x2  }
0x261: {  	s0 =	rddreg [dreg:$0x0];
	s2 =	stileid.u32  }
0x262: {  	s1 =	rddreg [dreg:$0x1];
	p0 =	sne.s32 s2, $0x0  }
0x263: {  	s3 =	rddreg [dreg:$0x2];
	[bflag:$0x3] =	sbarrier.arrive $0xFFFF;
	s2 =	simm.s32 @!p0 $0x1C02  }
0x264: {  	[timem:s3], [sflag:s2] =	dma.local @!p0 [hbm:s0], s1  }
0x265: {  	s0 =	simm.s32 @!p0 $0x2  }
0x266: {  	_ =	swait.ge @!p0 [sflag:s0], s1  }
0x267: {  	s1 =	ssub.s32 @!p0 $0x0, s1;
	[sflag:s0] =	ssyncset.done @!p0 $0x0  }
0x268: {  	[sflag:s0] =	ssyncadd.s32 @!p0 s1  }
0x269: {  	[bflag:$0x3] =	sbarrier.arrive $0xFFFF  }
0x26a: {  	_ =	shalt  }

</sc_bundles>
